<compile_context>
chip_gen: v7x
topology: tpu7x:2x2x1
jax: 0.10.2.dev20260603
libtpu: 0.0.44.dev20260713+nightly
codegen_flags: <defaults>
</compile_context>

<pallas_src>
import functools

import jax
import jax.numpy as jnp
from jax import lax
from jax.experimental import pallas as pl
from jax.experimental.pallas import tpu as pltpu
from jax.experimental.pallas import tpu_sc as plsc

_NC = 2
_NS = 16
_NW = _NC * _NS

_B, _L, _D = 4, 4096, 768
_N = _B * _L
_PER_W = _N // _NW
_CHUNK = 16
_NCHUNK = _PER_W // _CHUNK
_NBUF = 4
_NGROUP = _NCHUNK // _NBUF


_WPB = _L // _PER_W


@functools.partial(
    pl.kernel,
    mesh=plsc.VectorSubcoreMesh(core_axis_name="c", subcore_axis_name="s"),
    out_type=jax.ShapeDtypeStruct((_B, _L, _D), jnp.float32),
    scratch_types=(
        [pltpu.VMEM((_PER_W,), jnp.int32)]
        + [pltpu.VMEM((_CHUNK, _D), jnp.float32) for _ in range(_NBUF)]
        + [pltpu.SemaphoreType.DMA for _ in range(2 * _NBUF)]
    ),
)
def _sc_gather(table_hbm, idx_hbm, out_hbm, idx_v, *refs):
    rows = refs[:_NBUF]
    gsems = refs[_NBUF:2 * _NBUF]
    ssems = refs[2 * _NBUF:]
    wid = lax.axis_index("s") * _NC + lax.axis_index("c")
    bb = wid // _WPB
    loff = (wid % _WPB) * _PER_W
    pltpu.sync_copy(idx_hbm.at[bb, pl.ds(loff, _PER_W)], idx_v)

    def gstart(c, b):
        pltpu.async_copy(
            table_hbm.at[idx_v.at[pl.ds(c * _CHUNK, _CHUNK)]], rows[b], gsems[b])

    def gwait(c, b):
        pltpu.make_async_copy(
            table_hbm.at[idx_v.at[pl.ds(c * _CHUNK, _CHUNK)]], rows[b],
            gsems[b]).wait()

    def sstart(c, b):
        pltpu.async_copy(
            rows[b], out_hbm.at[bb, pl.ds(loff + c * _CHUNK, _CHUNK)], ssems[b])

    def swait(c, b):
        pltpu.make_async_copy(
            rows[b], out_hbm.at[bb, pl.ds(loff + c * _CHUNK, _CHUNK)],
            ssems[b]).wait()

    gstart(0, 0)
    gstart(1, 1)
    gstart(2, 2)
    gwait(0, 0)
    sstart(0, 0)
    gstart(3, 3)
    for b in range(1, _NBUF):
        gwait(b, b)
        sstart(b, b)
        swait(b - 1, b - 1)
        gstart(b + _NBUF - 1, b - 1)

    @pl.loop(1, _NGROUP - 1)
    def _group(g):
        c0 = g * _NBUF
        gwait(c0, 0)
        sstart(c0, 0)
        swait(c0 - 1, _NBUF - 1)
        gstart(c0 + _NBUF - 1, _NBUF - 1)
        for b in range(1, _NBUF):
            c = c0 + b
            gwait(c, b)
            sstart(c, b)
            swait(c - 1, b - 1)
            gstart(c + _NBUF - 1, b - 1)

    c0 = (_NGROUP - 1) * _NBUF
    gwait(c0, 0)
    sstart(c0, 0)
    swait(c0 - 1, _NBUF - 1)
    gstart(_NCHUNK - 1, _NBUF - 1)
    for b in range(1, _NBUF):
        gwait(c0 + b, b)
        sstart(c0 + b, b)
    for b in range(_NBUF):
        swait(c0 + b, b)


def kernel(src, embedding_table):
    if src.dtype != jnp.int32:
        src = src.astype(jnp.int32)
    return _sc_gather(embedding_table, src)

# --- scband reference (transcript-rebuilt; emitter-appended) ---
"""Pipeline reference for scband-encoder-89885075570740 (READ-ONLY COPY).

The authoritative reference and input builder live on the scoring server;
editing this copy changes nothing except your own understanding.
"""

import jax, jax.numpy as jnp
import numpy as np

SRC_VOCAB = 100000
D_MODEL = 768
B, L = 4, 4096


def setup_inputs(seed: int = 0) -> dict:
    key = jax.random.key(seed)
    k1, k2 = jax.random.split(key)
    src = jax.random.randint(k1, (B, L), 0, SRC_VOCAB, dtype=jnp.int64 if jax.config.jax_enable_x64 else jnp.int32)
    # nn.Embedding default init: N(0, 1)
    embedding_table = jax.random.normal(k2, (SRC_VOCAB, D_MODEL), dtype=jnp.float32)
    return {"src": src, "embedding_table": embedding_table}


def reference(src, embedding_table):
    # input_embedding(src) -> gather rows from the table (SparseCore-mappable gather)
    emb = jnp.take(embedding_table, src, axis=0)
    # dropout in eval mode is identity
    return emb


if False:  # reference __main__ guard neutralized (emitter)
    inp = setup_inputs()
    out = reference(**inp)
    print(out.shape, out.dtype)

if __name__ == "__main__":
    import jax
    _d = setup_inputs()
    print(jax.jit(kernel)(*tuple(_d.values())))

</pallas_src>

<mosaic_0001>
#map = affine_map<(d0, d1) -> (0, 0)>
#map1 = affine_map<(d0, d1) -> (0, 0, 0)>
module attributes {stable_mosaic.version = 14 : i64} {
  func.func @_sc_gather(%arg0: i32, %arg1: i32, %arg2: memref<100000x768xf32, #tpu.memory_space<hbm>>, %arg3: memref<4x4096xi32, #tpu.memory_space<hbm>>, %arg4: memref<4x4096x768xf32, #tpu.memory_space<hbm>>, %arg5: memref<512xi32, #tpu.memory_space<vmem>>, %arg6: memref<16x768xf32, #tpu.memory_space<vmem>>, %arg7: memref<16x768xf32, #tpu.memory_space<vmem>>, %arg8: memref<16x768xf32, #tpu.memory_space<vmem>>, %arg9: memref<16x768xf32, #tpu.memory_space<vmem>>, %arg10: memref<!tpu.dma_semaphore, #tpu.memory_space<semaphore_mem>>, %arg11: memref<!tpu.dma_semaphore, #tpu.memory_space<semaphore_mem>>, %arg12: memref<!tpu.dma_semaphore, #tpu.memory_space<semaphore_mem>>, %arg13: memref<!tpu.dma_semaphore, #tpu.memory_space<semaphore_mem>>, %arg14: memref<!tpu.dma_semaphore, #tpu.memory_space<semaphore_mem>>, %arg15: memref<!tpu.dma_semaphore, #tpu.memory_space<semaphore_mem>>, %arg16: memref<!tpu.dma_semaphore, #tpu.memory_space<semaphore_mem>>, %arg17: memref<!tpu.dma_semaphore, #tpu.memory_space<semaphore_mem>>) attributes {dimension_semantics = [#tpu.dimension_semantics<core_parallel>, #tpu.dimension_semantics<subcore_parallel>], iteration_bounds = array<i64: 2, 16>, scalar_prefetch = 0 : i64, scratch_operands = 13 : i64, tpu.core_type = #tpu.core_type<sc_vector_subcore>, window_params = [{transform_indices = #map}, {transform_indices = #map}, {transform_indices = #map1}]} {
    %mul3A = arith.constant 2 : i32
    %mul3A_0 = arith.muli %arg1, %mul3A : i32
    %add3A = arith.addi %mul3A_0, %arg0 : i32
    %jit3A = arith.constant 8 : i32
    %div3A = arith.divsi %add3A, %jit3A : i32
    %sign3A = arith.constant 0 : i32
    %sign3A_1 = arith.cmpi sgt, %add3A, %sign3A : i32
    %sign3A_2 = arith.extui %sign3A_1 : i1 to i32
    %sign3A_3 = arith.constant 0 : i32
    %sign3A_4 = arith.cmpi slt, %add3A, %sign3A_3 : i32
    %sign3A_5 = arith.extui %sign3A_4 : i1 to i32
    %sign3A_6 = arith.subi %sign3A_2, %sign3A_5 : i32
    %sign3A_7 = arith.constant 0 : i32
    %sign3A_8 = arith.cmpi sgt, %jit3A, %sign3A_7 : i32
    %sign3A_9 = arith.extui %sign3A_8 : i1 to i32
    %sign3A_10 = arith.constant 0 : i32
    %sign3A_11 = arith.cmpi slt, %jit3A, %sign3A_10 : i32
    %sign3A_12 = arith.extui %sign3A_11 : i1 to i32
    %sign3A_13 = arith.subi %sign3A_9, %sign3A_12 : i32
    %ne3A = arith.cmpi ne, %sign3A_6, %sign3A_13 : i32
    %rem3A = arith.remsi %add3A, %jit3A : i32
    %ne3A_14 = arith.constant 0 : i32
    %ne3A_15 = arith.cmpi ne, %rem3A, %ne3A_14 : i32
    %and3A = arith.andi %ne3A, %ne3A_15 : i1
    %sub3A = arith.constant 1 : i32
    %sub3A_16 = arith.subi %div3A, %sub3A : i32
    %select_n3A = arith.select %and3A, %sub3A_16, %div3A : i32
    %jit3A_17 = arith.constant 8 : i32
    %eq3A = arith.constant 0 : i32
    %eq3A_18 = arith.cmpi eq, %jit3A_17, %eq3A : i32
    %jit3A_19 = arith.constant 1 : i32
    %select_n3A_20 = arith.select %eq3A_18, %jit3A_19, %jit3A_17 : i32
    %rem3A_21 = arith.remsi %add3A, %select_n3A_20 : i32
    %ne3A_22 = arith.constant 0 : i32
    %ne3A_23 = arith.cmpi ne, %rem3A_21, %ne3A_22 : i32
    %lt3A = arith.constant 0 : i32
    %lt3A_24 = arith.cmpi slt, %rem3A_21, %lt3A : i32
    %lt3A_25 = arith.constant 0 : i32
    %lt3A_26 = arith.cmpi slt, %select_n3A_20, %lt3A_25 : i32
    %ne3A_27 = arith.xori %lt3A_24, %lt3A_26 : i1
    %and3A_28 = arith.andi %ne3A_27, %ne3A_23 : i1
    %add3A_29 = arith.addi %rem3A_21, %select_n3A_20 : i32
    %select_n3A_30 = arith.select %and3A_28, %add3A_29, %rem3A_21 : i32
    %mul3A_31 = arith.constant 512 : i32
    %mul3A_32 = arith.muli %select_n3A_30, %mul3A_31 : i32
    "tpu.region"() ({
      %run_scoped3A = tpu.sem_alloc : memref<!tpu.dma_semaphore, #tpu.memory_space<semaphore_mem>>
      %dma_start3A_243 = tpu.memref_slice %arg3[%select_n3A, %mul3A_32] : memref<4x4096xi32, #tpu.memory_space<hbm>> -> memref<1x512xi32, #tpu.memory_space<hbm>>
      %dma_start3A_244 = tpu.memref_squeeze %dma_start3A_243 : memref<1x512xi32, #tpu.memory_space<hbm>> -> memref<512xi32, #tpu.memory_space<hbm>>
      %dma_start3A_245 = tpu.memref_slice %arg3[%select_n3A, %mul3A_32] : memref<4x4096xi32, #tpu.memory_space<hbm>> -> memref<1x512xi32, #tpu.memory_space<hbm>>
      %dma_start3A_246 = tpu.memref_squeeze %dma_start3A_245 : memref<1x512xi32, #tpu.memory_space<hbm>> -> memref<512xi32, #tpu.memory_space<hbm>>
      tpu.enqueue_dma source(%dma_start3A_246 : memref<512xi32, #tpu.memory_space<hbm>>) target(%arg5 : memref<512xi32, #tpu.memory_space<vmem>>) target_semaphore(%run_scoped3A : memref<!tpu.dma_semaphore, #tpu.memory_space<semaphore_mem>>)
      %dma_wait3A_247 = tpu.memref_slice %arg3[%select_n3A, %mul3A_32] : memref<4x4096xi32, #tpu.memory_space<hbm>> -> memref<1x512xi32, #tpu.memory_space<hbm>>
      %dma_wait3A_248 = tpu.memref_squeeze %dma_wait3A_247 : memref<1x512xi32, #tpu.memory_space<hbm>> -> memref<512xi32, #tpu.memory_space<hbm>>
      %dma_wait3A_249 = tpu.memref_slice %arg3[%select_n3A, %mul3A_32] : memref<4x4096xi32, #tpu.memory_space<hbm>> -> memref<1x512xi32, #tpu.memory_space<hbm>>
      %dma_wait3A_250 = tpu.memref_squeeze %dma_wait3A_249 : memref<1x512xi32, #tpu.memory_space<hbm>> -> memref<512xi32, #tpu.memory_space<hbm>>
      tpu.wait_dma2 semaphore(%run_scoped3A : memref<!tpu.dma_semaphore, #tpu.memory_space<semaphore_mem>>) src(%dma_wait3A_250 : memref<512xi32, #tpu.memory_space<hbm>>) dst(%arg5 : memref<512xi32, #tpu.memory_space<vmem>>)
      tpu.yield
    }) : () -> ()
    %dma_start3A = arith.constant 0 : i32
    %dma_start3A_33 = tpu.memref_slice %arg5[%dma_start3A] : memref<512xi32, #tpu.memory_space<vmem>> -> memref<16xi32, #tpu.memory_space<vmem>>
    %dma_start3A_34 = arith.constant 0 : i32
    %dma_start3A_35 = arith.constant 0 : i32
    %dma_start3A_36 = tpu.memref_slice %arg2[%dma_start3A_34, %dma_start3A_35] : memref<100000x768xf32, #tpu.memory_space<hbm>> -> memref<100000x768xf32, #tpu.memory_space<hbm>>
    tpu.enqueue_indirect_dma source(%dma_start3A_36 : memref<100000x768xf32, #tpu.memory_space<hbm>>) target(%arg6 : memref<16x768xf32, #tpu.memory_space<vmem>>) offsets(%dma_start3A_33 : memref<16xi32, #tpu.memory_space<vmem>>) semaphore(%arg10 : memref<!tpu.dma_semaphore, #tpu.memory_space<semaphore_mem>>)
    %dma_start3A_37 = arith.constant 16 : i32
    %dma_start3A_38 = tpu.memref_slice %arg5[%dma_start3A_37] : memref<512xi32, #tpu.memory_space<vmem>> -> memref<16xi32, #tpu.memory_space<vmem>>
    %dma_start3A_39 = arith.constant 0 : i32
    %dma_start3A_40 = arith.constant 0 : i32
    %dma_start3A_41 = tpu.memref_slice %arg2[%dma_start3A_39, %dma_start3A_40] : memref<100000x768xf32, #tpu.memory_space<hbm>> -> memref<100000x768xf32, #tpu.memory_space<hbm>>
    tpu.enqueue_indirect_dma source(%dma_start3A_41 : memref<100000x768xf32, #tpu.memory_space<hbm>>) target(%arg7 : memref<16x768xf32, #tpu.memory_space<vmem>>) offsets(%dma_start3A_38 : memref<16xi32, #tpu.memory_space<vmem>>) semaphore(%arg11 : memref<!tpu.dma_semaphore, #tpu.memory_space<semaphore_mem>>)
    %dma_start3A_42 = arith.constant 32 : i32
    %dma_start3A_43 = tpu.memref_slice %arg5[%dma_start3A_42] : memref<512xi32, #tpu.memory_space<vmem>> -> memref<16xi32, #tpu.memory_space<vmem>>
    %dma_start3A_44 = arith.constant 0 : i32
    %dma_start3A_45 = arith.constant 0 : i32
    %dma_start3A_46 = tpu.memref_slice %arg2[%dma_start3A_44, %dma_start3A_45] : memref<100000x768xf32, #tpu.memory_space<hbm>> -> memref<100000x768xf32, #tpu.memory_space<hbm>>
    tpu.enqueue_indirect_dma source(%dma_start3A_46 : memref<100000x768xf32, #tpu.memory_space<hbm>>) target(%arg8 : memref<16x768xf32, #tpu.memory_space<vmem>>) offsets(%dma_start3A_43 : memref<16xi32, #tpu.memory_space<vmem>>) semaphore(%arg12 : memref<!tpu.dma_semaphore, #tpu.memory_space<semaphore_mem>>)
    %dma_wait3A = arith.constant 0 : i32
    %dma_wait3A_47 = tpu.memref_slice %arg5[%dma_wait3A] : memref<512xi32, #tpu.memory_space<vmem>> -> memref<16xi32, #tpu.memory_space<vmem>>
    %dma_wait3A_48 = arith.constant 0 : i32
    %dma_wait3A_49 = arith.constant 0 : i32
    %dma_wait3A_50 = tpu.memref_slice %arg2[%dma_wait3A_48, %dma_wait3A_49] : memref<100000x768xf32, #tpu.memory_space<hbm>> -> memref<100000x768xf32, #tpu.memory_space<hbm>>
    tpu.wait_indirect_dma semaphore(%arg10 : memref<!tpu.dma_semaphore, #tpu.memory_space<semaphore_mem>>) src(%dma_wait3A_50 : memref<100000x768xf32, #tpu.memory_space<hbm>>) dst(%arg6 : memref<16x768xf32, #tpu.memory_space<vmem>>)
    %add3A_51 = arith.constant 0 : i32
    %add3A_52 = arith.addi %mul3A_32, %add3A_51 : i32
    %dma_start3A_53 = arith.constant 0 : i32
    %dma_start3A_54 = tpu.memref_slice %arg4[%select_n3A, %add3A_52, %dma_start3A_53] : memref<4x4096x768xf32, #tpu.memory_space<hbm>> -> memref<1x16x768xf32, #tpu.memory_space<hbm>>
    %dma_start3A_55 = tpu.memref_squeeze %dma_start3A_54 : memref<1x16x768xf32, #tpu.memory_space<hbm>> -> memref<16x768xf32, #tpu.memory_space<hbm>>
    %dma_start3A_56 = arith.constant 0 : i32
    %dma_start3A_57 = tpu.memref_slice %arg4[%select_n3A, %add3A_52, %dma_start3A_56] : memref<4x4096x768xf32, #tpu.memory_space<hbm>> -> memref<1x16x768xf32, #tpu.memory_space<hbm>>
    %dma_start3A_58 = tpu.memref_squeeze %dma_start3A_57 : memref<1x16x768xf32, #tpu.memory_space<hbm>> -> memref<16x768xf32, #tpu.memory_space<hbm>>
    tpu.enqueue_dma source(%arg6 : memref<16x768xf32, #tpu.memory_space<vmem>>) target(%dma_start3A_58 : memref<16x768xf32, #tpu.memory_space<hbm>>) target_semaphore(%arg14 : memref<!tpu.dma_semaphore, #tpu.memory_space<semaphore_mem>>)
    %dma_start3A_59 = arith.constant 48 : i32
    %dma_start3A_60 = tpu.memref_slice %arg5[%dma_start3A_59] : memref<512xi32, #tpu.memory_space<vmem>> -> memref<16xi32, #tpu.memory_space<vmem>>
    %dma_start3A_61 = arith.constant 0 : i32
    %dma_start3A_62 = arith.constant 0 : i32
    %dma_start3A_63 = tpu.memref_slice %arg2[%dma_start3A_61, %dma_start3A_62] : memref<100000x768xf32, #tpu.memory_space<hbm>> -> memref<100000x768xf32, #tpu.memory_space<hbm>>
    tpu.enqueue_indirect_dma source(%dma_start3A_63 : memref<100000x768xf32, #tpu.memory_space<hbm>>) target(%arg9 : memref<16x768xf32, #tpu.memory_space<vmem>>) offsets(%dma_start3A_60 : memref<16xi32, #tpu.memory_space<vmem>>) semaphore(%arg13 : memref<!tpu.dma_semaphore, #tpu.memory_space<semaphore_mem>>)
    %dma_wait3A_64 = arith.constant 16 : i32
    %dma_wait3A_65 = tpu.memref_slice %arg5[%dma_wait3A_64] : memref<512xi32, #tpu.memory_space<vmem>> -> memref<16xi32, #tpu.memory_space<vmem>>
    %dma_wait3A_66 = arith.constant 0 : i32
    %dma_wait3A_67 = arith.constant 0 : i32
    %dma_wait3A_68 = tpu.memref_slice %arg2[%dma_wait3A_66, %dma_wait3A_67] : memref<100000x768xf32, #tpu.memory_space<hbm>> -> memref<100000x768xf32, #tpu.memory_space<hbm>>
    tpu.wait_indirect_dma semaphore(%arg11 : memref<!tpu.dma_semaphore, #tpu.memory_space<semaphore_mem>>) src(%dma_wait3A_68 : memref<100000x768xf32, #tpu.memory_space<hbm>>) dst(%arg7 : memref<16x768xf32, #tpu.memory_space<vmem>>)
    %add3A_69 = arith.constant 16 : i32
    %add3A_70 = arith.addi %mul3A_32, %add3A_69 : i32
    %dma_start3A_71 = arith.constant 0 : i32
    %dma_start3A_72 = tpu.memref_slice %arg4[%select_n3A, %add3A_70, %dma_start3A_71] : memref<4x4096x768xf32, #tpu.memory_space<hbm>> -> memref<1x16x768xf32, #tpu.memory_space<hbm>>
    %dma_start3A_73 = tpu.memref_squeeze %dma_start3A_72 : memref<1x16x768xf32, #tpu.memory_space<hbm>> -> memref<16x768xf32, #tpu.memory_space<hbm>>
    %dma_start3A_74 = arith.constant 0 : i32
    %dma_start3A_75 = tpu.memref_slice %arg4[%select_n3A, %add3A_70, %dma_start3A_74] : memref<4x4096x768xf32, #tpu.memory_space<hbm>> -> memref<1x16x768xf32, #tpu.memory_space<hbm>>
    %dma_start3A_76 = tpu.memref_squeeze %dma_start3A_75 : memref<1x16x768xf32, #tpu.memory_space<hbm>> -> memref<16x768xf32, #tpu.memory_space<hbm>>
    tpu.enqueue_dma source(%arg7 : memref<16x768xf32, #tpu.memory_space<vmem>>) target(%dma_start3A_76 : memref<16x768xf32, #tpu.memory_space<hbm>>) target_semaphore(%arg15 : memref<!tpu.dma_semaphore, #tpu.memory_space<semaphore_mem>>)
    %add3A_77 = arith.constant 0 : i32
    %add3A_78 = arith.addi %mul3A_32, %add3A_77 : i32
    %dma_wait3A_79 = arith.constant 0 : i32
    %dma_wait3A_80 = tpu.memref_slice %arg4[%select_n3A, %add3A_78, %dma_wait3A_79] : memref<4x4096x768xf32, #tpu.memory_space<hbm>> -> memref<1x16x768xf32, #tpu.memory_space<hbm>>
    %dma_wait3A_81 = tpu.memref_squeeze %dma_wait3A_80 : memref<1x16x768xf32, #tpu.memory_space<hbm>> -> memref<16x768xf32, #tpu.memory_space<hbm>>
    %dma_wait3A_82 = arith.constant 0 : i32
    %dma_wait3A_83 = tpu.memref_slice %arg4[%select_n3A, %add3A_78, %dma_wait3A_82] : memref<4x4096x768xf32, #tpu.memory_space<hbm>> -> memref<1x16x768xf32, #tpu.memory_space<hbm>>
    %dma_wait3A_84 = tpu.memref_squeeze %dma_wait3A_83 : memref<1x16x768xf32, #tpu.memory_space<hbm>> -> memref<16x768xf32, #tpu.memory_space<hbm>>
    tpu.wait_dma2 semaphore(%arg14 : memref<!tpu.dma_semaphore, #tpu.memory_space<semaphore_mem>>) src(%arg6 : memref<16x768xf32, #tpu.memory_space<vmem>>) dst(%dma_wait3A_84 : memref<16x768xf32, #tpu.memory_space<hbm>>)
    %dma_start3A_85 = arith.constant 64 : i32
    %dma_start3A_86 = tpu.memref_slice %arg5[%dma_start3A_85] : memref<512xi32, #tpu.memory_space<vmem>> -> memref<16xi32, #tpu.memory_space<vmem>>
    %dma_start3A_87 = arith.constant 0 : i32
    %dma_start3A_88 = arith.constant 0 : i32
    %dma_start3A_89 = tpu.memref_slice %arg2[%dma_start3A_87, %dma_start3A_88] : memref<100000x768xf32, #tpu.memory_space<hbm>> -> memref<100000x768xf32, #tpu.memory_space<hbm>>
    tpu.enqueue_indirect_dma source(%dma_start3A_89 : memref<100000x768xf32, #tpu.memory_space<hbm>>) target(%arg6 : memref<16x768xf32, #tpu.memory_space<vmem>>) offsets(%dma_start3A_86 : memref<16xi32, #tpu.memory_space<vmem>>) semaphore(%arg10 : memref<!tpu.dma_semaphore, #tpu.memory_space<semaphore_mem>>)
    %dma_wait3A_90 = arith.constant 32 : i32
    %dma_wait3A_91 = tpu.memref_slice %arg5[%dma_wait3A_90] : memref<512xi32, #tpu.memory_space<vmem>> -> memref<16xi32, #tpu.memory_space<vmem>>
    %dma_wait3A_92 = arith.constant 0 : i32
    %dma_wait3A_93 = arith.constant 0 : i32
    %dma_wait3A_94 = tpu.memref_slice %arg2[%dma_wait3A_92, %dma_wait3A_93] : memref<100000x768xf32, #tpu.memory_space<hbm>> -> memref<100000x768xf32, #tpu.memory_space<hbm>>
    tpu.wait_indirect_dma semaphore(%arg12 : memref<!tpu.dma_semaphore, #tpu.memory_space<semaphore_mem>>) src(%dma_wait3A_94 : memref<100000x768xf32, #tpu.memory_space<hbm>>) dst(%arg8 : memref<16x768xf32, #tpu.memory_space<vmem>>)
    %add3A_95 = arith.constant 32 : i32
    %add3A_96 = arith.addi %mul3A_32, %add3A_95 : i32
    %dma_start3A_97 = arith.constant 0 : i32
    %dma_start3A_98 = tpu.memref_slice %arg4[%select_n3A, %add3A_96, %dma_start3A_97] : memref<4x4096x768xf32, #tpu.memory_space<hbm>> -> memref<1x16x768xf32, #tpu.memory_space<hbm>>
    %dma_start3A_99 = tpu.memref_squeeze %dma_start3A_98 : memref<1x16x768xf32, #tpu.memory_space<hbm>> -> memref<16x768xf32, #tpu.memory_space<hbm>>
    %dma_start3A_100 = arith.constant 0 : i32
    %dma_start3A_101 = tpu.memref_slice %arg4[%select_n3A, %add3A_96, %dma_start3A_100] : memref<4x4096x768xf32, #tpu.memory_space<hbm>> -> memref<1x16x768xf32, #tpu.memory_space<hbm>>
    %dma_start3A_102 = tpu.memref_squeeze %dma_start3A_101 : memref<1x16x768xf32, #tpu.memory_space<hbm>> -> memref<16x768xf32, #tpu.memory_space<hbm>>
    tpu.enqueue_dma source(%arg8 : memref<16x768xf32, #tpu.memory_space<vmem>>) target(%dma_start3A_102 : memref<16x768xf32, #tpu.memory_space<hbm>>) target_semaphore(%arg16 : memref<!tpu.dma_semaphore, #tpu.memory_space<semaphore_mem>>)
    %add3A_103 = arith.constant 16 : i32
    %add3A_104 = arith.addi %mul3A_32, %add3A_103 : i32
    %dma_wait3A_105 = arith.constant 0 : i32
    %dma_wait3A_106 = tpu.memref_slice %arg4[%select_n3A, %add3A_104, %dma_wait3A_105] : memref<4x4096x768xf32, #tpu.memory_space<hbm>> -> memref<1x16x768xf32, #tpu.memory_space<hbm>>
    %dma_wait3A_107 = tpu.memref_squeeze %dma_wait3A_106 : memref<1x16x768xf32, #tpu.memory_space<hbm>> -> memref<16x768xf32, #tpu.memory_space<hbm>>
    %dma_wait3A_108 = arith.constant 0 : i32
    %dma_wait3A_109 = tpu.memref_slice %arg4[%select_n3A, %add3A_104, %dma_wait3A_108] : memref<4x4096x768xf32, #tpu.memory_space<hbm>> -> memref<1x16x768xf32, #tpu.memory_space<hbm>>
    %dma_wait3A_110 = tpu.memref_squeeze %dma_wait3A_109 : memref<1x16x768xf32, #tpu.memory_space<hbm>> -> memref<16x768xf32, #tpu.memory_space<hbm>>
    tpu.wait_dma2 semaphore(%arg15 : memref<!tpu.dma_semaphore, #tpu.memory_space<semaphore_mem>>) src(%arg7 : memref<16x768xf32, #tpu.memory_space<vmem>>) dst(%dma_wait3A_110 : memref<16x768xf32, #tpu.memory_space<hbm>>)
    %dma_start3A_111 = arith.constant 80 : i32
    %dma_start3A_112 = tpu.memref_slice %arg5[%dma_start3A_111] : memref<512xi32, #tpu.memory_space<vmem>> -> memref<16xi32, #tpu.memory_space<vmem>>
    %dma_start3A_113 = arith.constant 0 : i32
    %dma_start3A_114 = arith.constant 0 : i32
    %dma_start3A_115 = tpu.memref_slice %arg2[%dma_start3A_113, %dma_start3A_114] : memref<100000x768xf32, #tpu.memory_space<hbm>> -> memref<100000x768xf32, #tpu.memory_space<hbm>>
    tpu.enqueue_indirect_dma source(%dma_start3A_115 : memref<100000x768xf32, #tpu.memory_space<hbm>>) target(%arg7 : memref<16x768xf32, #tpu.memory_space<vmem>>) offsets(%dma_start3A_112 : memref<16xi32, #tpu.memory_space<vmem>>) semaphore(%arg11 : memref<!tpu.dma_semaphore, #tpu.memory_space<semaphore_mem>>)
    %dma_wait3A_116 = arith.constant 48 : i32
    %dma_wait3A_117 = tpu.memref_slice %arg5[%dma_wait3A_116] : memref<512xi32, #tpu.memory_space<vmem>> -> memref<16xi32, #tpu.memory_space<vmem>>
    %dma_wait3A_118 = arith.constant 0 : i32
    %dma_wait3A_119 = arith.constant 0 : i32
    %dma_wait3A_120 = tpu.memref_slice %arg2[%dma_wait3A_118, %dma_wait3A_119] : memref<100000x768xf32, #tpu.memory_space<hbm>> -> memref<100000x768xf32, #tpu.memory_space<hbm>>
    tpu.wait_indirect_dma semaphore(%arg13 : memref<!tpu.dma_semaphore, #tpu.memory_space<semaphore_mem>>) src(%dma_wait3A_120 : memref<100000x768xf32, #tpu.memory_space<hbm>>) dst(%arg9 : memref<16x768xf32, #tpu.memory_space<vmem>>)
    %add3A_121 = arith.constant 48 : i32
    %add3A_122 = arith.addi %mul3A_32, %add3A_121 : i32
    %dma_start3A_123 = arith.constant 0 : i32
    %dma_start3A_124 = tpu.memref_slice %arg4[%select_n3A, %add3A_122, %dma_start3A_123] : memref<4x4096x768xf32, #tpu.memory_space<hbm>> -> memref<1x16x768xf32, #tpu.memory_space<hbm>>
    %dma_start3A_125 = tpu.memref_squeeze %dma_start3A_124 : memref<1x16x768xf32, #tpu.memory_space<hbm>> -> memref<16x768xf32, #tpu.memory_space<hbm>>
    %dma_start3A_126 = arith.constant 0 : i32
    %dma_start3A_127 = tpu.memref_slice %arg4[%select_n3A, %add3A_122, %dma_start3A_126] : memref<4x4096x768xf32, #tpu.memory_space<hbm>> -> memref<1x16x768xf32, #tpu.memory_space<hbm>>
    %dma_start3A_128 = tpu.memref_squeeze %dma_start3A_127 : memref<1x16x768xf32, #tpu.memory_space<hbm>> -> memref<16x768xf32, #tpu.memory_space<hbm>>
    tpu.enqueue_dma source(%arg9 : memref<16x768xf32, #tpu.memory_space<vmem>>) target(%dma_start3A_128 : memref<16x768xf32, #tpu.memory_space<hbm>>) target_semaphore(%arg17 : memref<!tpu.dma_semaphore, #tpu.memory_space<semaphore_mem>>)
    %add3A_129 = arith.constant 32 : i32
    %add3A_130 = arith.addi %mul3A_32, %add3A_129 : i32
    %dma_wait3A_131 = arith.constant 0 : i32
    %dma_wait3A_132 = tpu.memref_slice %arg4[%select_n3A, %add3A_130, %dma_wait3A_131] : memref<4x4096x768xf32, #tpu.memory_space<hbm>> -> memref<1x16x768xf32, #tpu.memory_space<hbm>>
    %dma_wait3A_133 = tpu.memref_squeeze %dma_wait3A_132 : memref<1x16x768xf32, #tpu.memory_space<hbm>> -> memref<16x768xf32, #tpu.memory_space<hbm>>
    %dma_wait3A_134 = arith.constant 0 : i32
    %dma_wait3A_135 = tpu.memref_slice %arg4[%select_n3A, %add3A_130, %dma_wait3A_134] : memref<4x4096x768xf32, #tpu.memory_space<hbm>> -> memref<1x16x768xf32, #tpu.memory_space<hbm>>
    %dma_wait3A_136 = tpu.memref_squeeze %dma_wait3A_135 : memref<1x16x768xf32, #tpu.memory_space<hbm>> -> memref<16x768xf32, #tpu.memory_space<hbm>>
    tpu.wait_dma2 semaphore(%arg16 : memref<!tpu.dma_semaphore, #tpu.memory_space<semaphore_mem>>) src(%arg8 : memref<16x768xf32, #tpu.memory_space<vmem>>) dst(%dma_wait3A_136 : memref<16x768xf32, #tpu.memory_space<hbm>>)
    %dma_start3A_137 = arith.constant 96 : i32
    %dma_start3A_138 = tpu.memref_slice %arg5[%dma_start3A_137] : memref<512xi32, #tpu.memory_space<vmem>> -> memref<16xi32, #tpu.memory_space<vmem>>
    %dma_start3A_139 = arith.constant 0 : i32
    %dma_start3A_140 = arith.constant 0 : i32
    %dma_start3A_141 = tpu.memref_slice %arg2[%dma_start3A_139, %dma_start3A_140] : memref<100000x768xf32, #tpu.memory_space<hbm>> -> memref<100000x768xf32, #tpu.memory_space<hbm>>
    tpu.enqueue_indirect_dma source(%dma_start3A_141 : memref<100000x768xf32, #tpu.memory_space<hbm>>) target(%arg8 : memref<16x768xf32, #tpu.memory_space<vmem>>) offsets(%dma_start3A_138 : memref<16xi32, #tpu.memory_space<vmem>>) semaphore(%arg12 : memref<!tpu.dma_semaphore, #tpu.memory_space<semaphore_mem>>)
    %scan3A = arith.constant 0 : i32
    %scan3A_142 = arith.constant 6 : i32
    %scan3A_143 = arith.addi %scan3A, %scan3A_142 : i32
    %scan3A_144 = arith.constant 1 : i32
    scf.for %scan3A_243 = %scan3A to %scan3A_143 step %scan3A_144  : i32 {
      %mul3A_244 = arith.constant 1 : i32
      %mul3A_245 = arith.muli %scan3A_243, %mul3A_244 : i32
      %add3A_246 = arith.constant 1 : i32
      %add3A_247 = arith.addi %add3A_246, %mul3A_245 : i32
      %mul3A_248 = arith.constant 4 : i32
      %mul3A_249 = arith.muli %add3A_247, %mul3A_248 : i32
      %mul3A_250 = arith.constant 16 : i32
      %mul3A_251 = arith.muli %mul3A_249, %mul3A_250 : i32
      %dma_wait3A_252 = tpu.memref_slice %arg5[%mul3A_251] : memref<512xi32, #tpu.memory_space<vmem>> -> memref<16xi32, #tpu.memory_space<vmem>>
      %dma_wait3A_253 = arith.constant 0 : i32
      %dma_wait3A_254 = arith.constant 0 : i32
      %dma_wait3A_255 = tpu.memref_slice %arg2[%dma_wait3A_253, %dma_wait3A_254] : memref<100000x768xf32, #tpu.memory_space<hbm>> -> memref<100000x768xf32, #tpu.memory_space<hbm>>
      tpu.wait_indirect_dma semaphore(%arg10 : memref<!tpu.dma_semaphore, #tpu.memory_space<semaphore_mem>>) src(%dma_wait3A_255 : memref<100000x768xf32, #tpu.memory_space<hbm>>) dst(%arg6 : memref<16x768xf32, #tpu.memory_space<vmem>>)
      %mul3A_256 = arith.constant 16 : i32
      %mul3A_257 = arith.muli %mul3A_249, %mul3A_256 : i32
      %add3A_258 = arith.addi %mul3A_32, %mul3A_257 : i32
      %dma_start3A_259 = arith.constant 0 : i32
      %dma_start3A_260 = tpu.memref_slice %arg4[%select_n3A, %add3A_258, %dma_start3A_259] : memref<4x4096x768xf32, #tpu.memory_space<hbm>> -> memref<1x16x768xf32, #tpu.memory_space<hbm>>
      %dma_start3A_261 = tpu.memref_squeeze %dma_start3A_260 : memref<1x16x768xf32, #tpu.memory_space<hbm>> -> memref<16x768xf32, #tpu.memory_space<hbm>>
      %dma_start3A_262 = arith.constant 0 : i32
      %dma_start3A_263 = tpu.memref_slice %arg4[%select_n3A, %add3A_258, %dma_start3A_262] : memref<4x4096x768xf32, #tpu.memory_space<hbm>> -> memref<1x16x768xf32, #tpu.memory_space<hbm>>
      %dma_start3A_264 = tpu.memref_squeeze %dma_start3A_263 : memref<1x16x768xf32, #tpu.memory_space<hbm>> -> memref<16x768xf32, #tpu.memory_space<hbm>>
      tpu.enqueue_dma source(%arg6 : memref<16x768xf32, #tpu.memory_space<vmem>>) target(%dma_start3A_264 : memref<16x768xf32, #tpu.memory_space<hbm>>) target_semaphore(%arg14 : memref<!tpu.dma_semaphore, #tpu.memory_space<semaphore_mem>>)
      %sub3A_265 = arith.constant 1 : i32
      %sub3A_266 = arith.subi %mul3A_249, %sub3A_265 : i32
      %mul3A_267 = arith.constant 16 : i32
      %mul3A_268 = arith.muli %sub3A_266, %mul3A_267 : i32
      %add3A_269 = arith.addi %mul3A_32, %mul3A_268 : i32
      %dma_wait3A_270 = arith.constant 0 : i32
      %dma_wait3A_271 = tpu.memref_slice %arg4[%select_n3A, %add3A_269, %dma_wait3A_270] : memref<4x4096x768xf32, #tpu.memory_space<hbm>> -> memref<1x16x768xf32, #tpu.memory_space<hbm>>
      %dma_wait3A_272 = tpu.memref_squeeze %dma_wait3A_271 : memref<1x16x768xf32, #tpu.memory_space<hbm>> -> memref<16x768xf32, #tpu.memory_space<hbm>>
      %dma_wait3A_273 = arith.constant 0 : i32
      %dma_wait3A_274 = tpu.memref_slice %arg4[%select_n3A, %add3A_269, %dma_wait3A_273] : memref<4x4096x768xf32, #tpu.memory_space<hbm>> -> memref<1x16x768xf32, #tpu.memory_space<hbm>>
      %dma_wait3A_275 = tpu.memref_squeeze %dma_wait3A_274 : memref<1x16x768xf32, #tpu.memory_space<hbm>> -> memref<16x768xf32, #tpu.memory_space<hbm>>
      tpu.wait_dma2 semaphore(%arg17 : memref<!tpu.dma_semaphore, #tpu.memory_space<semaphore_mem>>) src(%arg9 : memref<16x768xf32, #tpu.memory_space<vmem>>) dst(%dma_wait3A_275 : memref<16x768xf32, #tpu.memory_space<hbm>>)
      %add3A_276 = arith.constant 4 : i32
      %add3A_277 = arith.addi %mul3A_249, %add3A_276 : i32
      %sub3A_278 = arith.constant 1 : i32
      %sub3A_279 = arith.subi %add3A_277, %sub3A_278 : i32
      %mul3A_280 = arith.constant 16 : i32
      %mul3A_281 = arith.muli %sub3A_279, %mul3A_280 : i32
      %dma_start3A_282 = tpu.memref_slice %arg5[%mul3A_281] : memref<512xi32, #tpu.memory_space<vmem>> -> memref<16xi32, #tpu.memory_space<vmem>>
      %dma_start3A_283 = arith.constant 0 : i32
      %dma_start3A_284 = arith.constant 0 : i32
      %dma_start3A_285 = tpu.memref_slice %arg2[%dma_start3A_283, %dma_start3A_284] : memref<100000x768xf32, #tpu.memory_space<hbm>> -> memref<100000x768xf32, #tpu.memory_space<hbm>>
      tpu.enqueue_indirect_dma source(%dma_start3A_285 : memref<100000x768xf32, #tpu.memory_space<hbm>>) target(%arg9 : memref<16x768xf32, #tpu.memory_space<vmem>>) offsets(%dma_start3A_282 : memref<16xi32, #tpu.memory_space<vmem>>) semaphore(%arg13 : memref<!tpu.dma_semaphore, #tpu.memory_space<semaphore_mem>>)
      %add3A_286 = arith.constant 1 : i32
      %add3A_287 = arith.addi %mul3A_249, %add3A_286 : i32
      %mul3A_288 = arith.constant 16 : i32
      %mul3A_289 = arith.muli %add3A_287, %mul3A_288 : i32
      %dma_wait3A_290 = tpu.memref_slice %arg5[%mul3A_289] : memref<512xi32, #tpu.memory_space<vmem>> -> memref<16xi32, #tpu.memory_space<vmem>>
      %dma_wait3A_291 = arith.constant 0 : i32
      %dma_wait3A_292 = arith.constant 0 : i32
      %dma_wait3A_293 = tpu.memref_slice %arg2[%dma_wait3A_291, %dma_wait3A_292] : memref<100000x768xf32, #tpu.memory_space<hbm>> -> memref<100000x768xf32, #tpu.memory_space<hbm>>
      tpu.wait_indirect_dma semaphore(%arg11 : memref<!tpu.dma_semaphore, #tpu.memory_space<semaphore_mem>>) src(%dma_wait3A_293 : memref<100000x768xf32, #tpu.memory_space<hbm>>) dst(%arg7 : memref<16x768xf32, #tpu.memory_space<vmem>>)
      %mul3A_294 = arith.constant 16 : i32
      %mul3A_295 = arith.muli %add3A_287, %mul3A_294 : i32
      %add3A_296 = arith.addi %mul3A_32, %mul3A_295 : i32
      %dma_start3A_297 = arith.constant 0 : i32
      %dma_start3A_298 = tpu.memref_slice %arg4[%select_n3A, %add3A_296, %dma_start3A_297] : memref<4x4096x768xf32, #tpu.memory_space<hbm>> -> memref<1x16x768xf32, #tpu.memory_space<hbm>>
      %dma_start3A_299 = tpu.memref_squeeze %dma_start3A_298 : memref<1x16x768xf32, #tpu.memory_space<hbm>> -> memref<16x768xf32, #tpu.memory_space<hbm>>
      %dma_start3A_300 = arith.constant 0 : i32
      %dma_start3A_301 = tpu.memref_slice %arg4[%select_n3A, %add3A_296, %dma_start3A_300] : memref<4x4096x768xf32, #tpu.memory_space<hbm>> -> memref<1x16x768xf32, #tpu.memory_space<hbm>>
      %dma_start3A_302 = tpu.memref_squeeze %dma_start3A_301 : memref<1x16x768xf32, #tpu.memory_space<hbm>> -> memref<16x768xf32, #tpu.memory_space<hbm>>
      tpu.enqueue_dma source(%arg7 : memref<16x768xf32, #tpu.memory_space<vmem>>) target(%dma_start3A_302 : memref<16x768xf32, #tpu.memory_space<hbm>>) target_semaphore(%arg15 : memref<!tpu.dma_semaphore, #tpu.memory_space<semaphore_mem>>)
      %sub3A_303 = arith.constant 1 : i32
      %sub3A_304 = arith.subi %add3A_287, %sub3A_303 : i32
      %mul3A_305 = arith.constant 16 : i32
      %mul3A_306 = arith.muli %sub3A_304, %mul3A_305 : i32
      %add3A_307 = arith.addi %mul3A_32, %mul3A_306 : i32
      %dma_wait3A_308 = arith.constant 0 : i32
      %dma_wait3A_309 = tpu.memref_slice %arg4[%select_n3A, %add3A_307, %dma_wait3A_308] : memref<4x4096x768xf32, #tpu.memory_space<hbm>> -> memref<1x16x768xf32, #tpu.memory_space<hbm>>
      %dma_wait3A_310 = tpu.memref_squeeze %dma_wait3A_309 : memref<1x16x768xf32, #tpu.memory_space<hbm>> -> memref<16x768xf32, #tpu.memory_space<hbm>>
      %dma_wait3A_311 = arith.constant 0 : i32
      %dma_wait3A_312 = tpu.memref_slice %arg4[%select_n3A, %add3A_307, %dma_wait3A_311] : memref<4x4096x768xf32, #tpu.memory_space<hbm>> -> memref<1x16x768xf32, #tpu.memory_space<hbm>>
      %dma_wait3A_313 = tpu.memref_squeeze %dma_wait3A_312 : memref<1x16x768xf32, #tpu.memory_space<hbm>> -> memref<16x768xf32, #tpu.memory_space<hbm>>
      tpu.wait_dma2 semaphore(%arg14 : memref<!tpu.dma_semaphore, #tpu.memory_space<semaphore_mem>>) src(%arg6 : memref<16x768xf32, #tpu.memory_space<vmem>>) dst(%dma_wait3A_313 : memref<16x768xf32, #tpu.memory_space<hbm>>)
      %add3A_314 = arith.constant 4 : i32
      %add3A_315 = arith.addi %add3A_287, %add3A_314 : i32
      %sub3A_316 = arith.constant 1 : i32
      %sub3A_317 = arith.subi %add3A_315, %sub3A_316 : i32
      %mul3A_318 = arith.constant 16 : i32
      %mul3A_319 = arith.muli %sub3A_317, %mul3A_318 : i32
      %dma_start3A_320 = tpu.memref_slice %arg5[%mul3A_319] : memref<512xi32, #tpu.memory_space<vmem>> -> memref<16xi32, #tpu.memory_space<vmem>>
      %dma_start3A_321 = arith.constant 0 : i32
      %dma_start3A_322 = arith.constant 0 : i32
      %dma_start3A_323 = tpu.memref_slice %arg2[%dma_start3A_321, %dma_start3A_322] : memref<100000x768xf32, #tpu.memory_space<hbm>> -> memref<100000x768xf32, #tpu.memory_space<hbm>>
      tpu.enqueue_indirect_dma source(%dma_start3A_323 : memref<100000x768xf32, #tpu.memory_space<hbm>>) target(%arg6 : memref<16x768xf32, #tpu.memory_space<vmem>>) offsets(%dma_start3A_320 : memref<16xi32, #tpu.memory_space<vmem>>) semaphore(%arg10 : memref<!tpu.dma_semaphore, #tpu.memory_space<semaphore_mem>>)
      %add3A_324 = arith.constant 2 : i32
      %add3A_325 = arith.addi %mul3A_249, %add3A_324 : i32
      %mul3A_326 = arith.constant 16 : i32
      %mul3A_327 = arith.muli %add3A_325, %mul3A_326 : i32
      %dma_wait3A_328 = tpu.memref_slice %arg5[%mul3A_327] : memref<512xi32, #tpu.memory_space<vmem>> -> memref<16xi32, #tpu.memory_space<vmem>>
      %dma_wait3A_329 = arith.constant 0 : i32
      %dma_wait3A_330 = arith.constant 0 : i32
      %dma_wait3A_331 = tpu.memref_slice %arg2[%dma_wait3A_329, %dma_wait3A_330] : memref<100000x768xf32, #tpu.memory_space<hbm>> -> memref<100000x768xf32, #tpu.memory_space<hbm>>
      tpu.wait_indirect_dma semaphore(%arg12 : memref<!tpu.dma_semaphore, #tpu.memory_space<semaphore_mem>>) src(%dma_wait3A_331 : memref<100000x768xf32, #tpu.memory_space<hbm>>) dst(%arg8 : memref<16x768xf32, #tpu.memory_space<vmem>>)
      %mul3A_332 = arith.constant 16 : i32
      %mul3A_333 = arith.muli %add3A_325, %mul3A_332 : i32
      %add3A_334 = arith.addi %mul3A_32, %mul3A_333 : i32
      %dma_start3A_335 = arith.constant 0 : i32
      %dma_start3A_336 = tpu.memref_slice %arg4[%select_n3A, %add3A_334, %dma_start3A_335] : memref<4x4096x768xf32, #tpu.memory_space<hbm>> -> memref<1x16x768xf32, #tpu.memory_space<hbm>>
      %dma_start3A_337 = tpu.memref_squeeze %dma_start3A_336 : memref<1x16x768xf32, #tpu.memory_space<hbm>> -> memref<16x768xf32, #tpu.memory_space<hbm>>
      %dma_start3A_338 = arith.constant 0 : i32
      %dma_start3A_339 = tpu.memref_slice %arg4[%select_n3A, %add3A_334, %dma_start3A_338] : memref<4x4096x768xf32, #tpu.memory_space<hbm>> -> memref<1x16x768xf32, #tpu.memory_space<hbm>>
      %dma_start3A_340 = tpu.memref_squeeze %dma_start3A_339 : memref<1x16x768xf32, #tpu.memory_space<hbm>> -> memref<16x768xf32, #tpu.memory_space<hbm>>
      tpu.enqueue_dma source(%arg8 : memref<16x768xf32, #tpu.memory_space<vmem>>) target(%dma_start3A_340 : memref<16x768xf32, #tpu.memory_space<hbm>>) target_semaphore(%arg16 : memref<!tpu.dma_semaphore, #tpu.memory_space<semaphore_mem>>)
      %sub3A_341 = arith.constant 1 : i32
      %sub3A_342 = arith.subi %add3A_325, %sub3A_341 : i32
      %mul3A_343 = arith.constant 16 : i32
      %mul3A_344 = arith.muli %sub3A_342, %mul3A_343 : i32
      %add3A_345 = arith.addi %mul3A_32, %mul3A_344 : i32
      %dma_wait3A_346 = arith.constant 0 : i32
      %dma_wait3A_347 = tpu.memref_slice %arg4[%select_n3A, %add3A_345, %dma_wait3A_346] : memref<4x4096x768xf32, #tpu.memory_space<hbm>> -> memref<1x16x768xf32, #tpu.memory_space<hbm>>
      %dma_wait3A_348 = tpu.memref_squeeze %dma_wait3A_347 : memref<1x16x768xf32, #tpu.memory_space<hbm>> -> memref<16x768xf32, #tpu.memory_space<hbm>>
      %dma_wait3A_349 = arith.constant 0 : i32
      %dma_wait3A_350 = tpu.memref_slice %arg4[%select_n3A, %add3A_345, %dma_wait3A_349] : memref<4x4096x768xf32, #tpu.memory_space<hbm>> -> memref<1x16x768xf32, #tpu.memory_space<hbm>>
      %dma_wait3A_351 = tpu.memref_squeeze %dma_wait3A_350 : memref<1x16x768xf32, #tpu.memory_space<hbm>> -> memref<16x768xf32, #tpu.memory_space<hbm>>
      tpu.wait_dma2 semaphore(%arg15 : memref<!tpu.dma_semaphore, #tpu.memory_space<semaphore_mem>>) src(%arg7 : memref<16x768xf32, #tpu.memory_space<vmem>>) dst(%dma_wait3A_351 : memref<16x768xf32, #tpu.memory_space<hbm>>)
      %add3A_352 = arith.constant 4 : i32
      %add3A_353 = arith.addi %add3A_325, %add3A_352 : i32
      %sub3A_354 = arith.constant 1 : i32
      %sub3A_355 = arith.subi %add3A_353, %sub3A_354 : i32
      %mul3A_356 = arith.constant 16 : i32
      %mul3A_357 = arith.muli %sub3A_355, %mul3A_356 : i32
      %dma_start3A_358 = tpu.memref_slice %arg5[%mul3A_357] : memref<512xi32, #tpu.memory_space<vmem>> -> memref<16xi32, #tpu.memory_space<vmem>>
      %dma_start3A_359 = arith.constant 0 : i32
      %dma_start3A_360 = arith.constant 0 : i32
      %dma_start3A_361 = tpu.memref_slice %arg2[%dma_start3A_359, %dma_start3A_360] : memref<100000x768xf32, #tpu.memory_space<hbm>> -> memref<100000x768xf32, #tpu.memory_space<hbm>>
      tpu.enqueue_indirect_dma source(%dma_start3A_361 : memref<100000x768xf32, #tpu.memory_space<hbm>>) target(%arg7 : memref<16x768xf32, #tpu.memory_space<vmem>>) offsets(%dma_start3A_358 : memref<16xi32, #tpu.memory_space<vmem>>) semaphore(%arg11 : memref<!tpu.dma_semaphore, #tpu.memory_space<semaphore_mem>>)
      %add3A_362 = arith.constant 3 : i32
      %add3A_363 = arith.addi %mul3A_249, %add3A_362 : i32
      %mul3A_364 = arith.constant 16 : i32
      %mul3A_365 = arith.muli %add3A_363, %mul3A_364 : i32
      %dma_wait3A_366 = tpu.memref_slice %arg5[%mul3A_365] : memref<512xi32, #tpu.memory_space<vmem>> -> memref<16xi32, #tpu.memory_space<vmem>>
      %dma_wait3A_367 = arith.constant 0 : i32
      %dma_wait3A_368 = arith.constant 0 : i32
      %dma_wait3A_369 = tpu.memref_slice %arg2[%dma_wait3A_367, %dma_wait3A_368] : memref<100000x768xf32, #tpu.memory_space<hbm>> -> memref<100000x768xf32, #tpu.memory_space<hbm>>
      tpu.wait_indirect_dma semaphore(%arg13 : memref<!tpu.dma_semaphore, #tpu.memory_space<semaphore_mem>>) src(%dma_wait3A_369 : memref<100000x768xf32, #tpu.memory_space<hbm>>) dst(%arg9 : memref<16x768xf32, #tpu.memory_space<vmem>>)
      %mul3A_370 = arith.constant 16 : i32
      %mul3A_371 = arith.muli %add3A_363, %mul3A_370 : i32
      %add3A_372 = arith.addi %mul3A_32, %mul3A_371 : i32
      %dma_start3A_373 = arith.constant 0 : i32
      %dma_start3A_374 = tpu.memref_slice %arg4[%select_n3A, %add3A_372, %dma_start3A_373] : memref<4x4096x768xf32, #tpu.memory_space<hbm>> -> memref<1x16x768xf32, #tpu.memory_space<hbm>>
      %dma_start3A_375 = tpu.memref_squeeze %dma_start3A_374 : memref<1x16x768xf32, #tpu.memory_space<hbm>> -> memref<16x768xf32, #tpu.memory_space<hbm>>
      %dma_start3A_376 = arith.constant 0 : i32
      %dma_start3A_377 = tpu.memref_slice %arg4[%select_n3A, %add3A_372, %dma_start3A_376] : memref<4x4096x768xf32, #tpu.memory_space<hbm>> -> memref<1x16x768xf32, #tpu.memory_space<hbm>>
      %dma_start3A_378 = tpu.memref_squeeze %dma_start3A_377 : memref<1x16x768xf32, #tpu.memory_space<hbm>> -> memref<16x768xf32, #tpu.memory_space<hbm>>
      tpu.enqueue_dma source(%arg9 : memref<16x768xf32, #tpu.memory_space<vmem>>) target(%dma_start3A_378 : memref<16x768xf32, #tpu.memory_space<hbm>>) target_semaphore(%arg17 : memref<!tpu.dma_semaphore, #tpu.memory_space<semaphore_mem>>)
      %sub3A_379 = arith.constant 1 : i32
      %sub3A_380 = arith.subi %add3A_363, %sub3A_379 : i32
      %mul3A_381 = arith.constant 16 : i32
      %mul3A_382 = arith.muli %sub3A_380, %mul3A_381 : i32
      %add3A_383 = arith.addi %mul3A_32, %mul3A_382 : i32
      %dma_wait3A_384 = arith.constant 0 : i32
      %dma_wait3A_385 = tpu.memref_slice %arg4[%select_n3A, %add3A_383, %dma_wait3A_384] : memref<4x4096x768xf32, #tpu.memory_space<hbm>> -> memref<1x16x768xf32, #tpu.memory_space<hbm>>
      %dma_wait3A_386 = tpu.memref_squeeze %dma_wait3A_385 : memref<1x16x768xf32, #tpu.memory_space<hbm>> -> memref<16x768xf32, #tpu.memory_space<hbm>>
      %dma_wait3A_387 = arith.constant 0 : i32
      %dma_wait3A_388 = tpu.memref_slice %arg4[%select_n3A, %add3A_383, %dma_wait3A_387] : memref<4x4096x768xf32, #tpu.memory_space<hbm>> -> memref<1x16x768xf32, #tpu.memory_space<hbm>>
      %dma_wait3A_389 = tpu.memref_squeeze %dma_wait3A_388 : memref<1x16x768xf32, #tpu.memory_space<hbm>> -> memref<16x768xf32, #tpu.memory_space<hbm>>
      tpu.wait_dma2 semaphore(%arg16 : memref<!tpu.dma_semaphore, #tpu.memory_space<semaphore_mem>>) src(%arg8 : memref<16x768xf32, #tpu.memory_space<vmem>>) dst(%dma_wait3A_389 : memref<16x768xf32, #tpu.memory_space<hbm>>)
      %add3A_390 = arith.constant 4 : i32
      %add3A_391 = arith.addi %add3A_363, %add3A_390 : i32
      %sub3A_392 = arith.constant 1 : i32
      %sub3A_393 = arith.subi %add3A_391, %sub3A_392 : i32
      %mul3A_394 = arith.constant 16 : i32
      %mul3A_395 = arith.muli %sub3A_393, %mul3A_394 : i32
      %dma_start3A_396 = tpu.memref_slice %arg5[%mul3A_395] : memref<512xi32, #tpu.memory_space<vmem>> -> memref<16xi32, #tpu.memory_space<vmem>>
      %dma_start3A_397 = arith.constant 0 : i32
      %dma_start3A_398 = arith.constant 0 : i32
      %dma_start3A_399 = tpu.memref_slice %arg2[%dma_start3A_397, %dma_start3A_398] : memref<100000x768xf32, #tpu.memory_space<hbm>> -> memref<100000x768xf32, #tpu.memory_space<hbm>>
      tpu.enqueue_indirect_dma source(%dma_start3A_399 : memref<100000x768xf32, #tpu.memory_space<hbm>>) target(%arg8 : memref<16x768xf32, #tpu.memory_space<vmem>>) offsets(%dma_start3A_396 : memref<16xi32, #tpu.memory_space<vmem>>) semaphore(%arg12 : memref<!tpu.dma_semaphore, #tpu.memory_space<semaphore_mem>>)
    }
    %scan3A_145 = arith.constant 6 : i32
    %dma_wait3A_146 = arith.constant 448 : i32
    %dma_wait3A_147 = tpu.memref_slice %arg5[%dma_wait3A_146] : memref<512xi32, #tpu.memory_space<vmem>> -> memref<16xi32, #tpu.memory_space<vmem>>
    %dma_wait3A_148 = arith.constant 0 : i32
    %dma_wait3A_149 = arith.constant 0 : i32
    %dma_wait3A_150 = tpu.memref_slice %arg2[%dma_wait3A_148, %dma_wait3A_149] : memref<100000x768xf32, #tpu.memory_space<hbm>> -> memref<100000x768xf32, #tpu.memory_space<hbm>>
    tpu.wait_indirect_dma semaphore(%arg10 : memref<!tpu.dma_semaphore, #tpu.memory_space<semaphore_mem>>) src(%dma_wait3A_150 : memref<100000x768xf32, #tpu.memory_space<hbm>>) dst(%arg6 : memref<16x768xf32, #tpu.memory_space<vmem>>)
    %add3A_151 = arith.constant 448 : i32
    %add3A_152 = arith.addi %mul3A_32, %add3A_151 : i32
    %dma_start3A_153 = arith.constant 0 : i32
    %dma_start3A_154 = tpu.memref_slice %arg4[%select_n3A, %add3A_152, %dma_start3A_153] : memref<4x4096x768xf32, #tpu.memory_space<hbm>> -> memref<1x16x768xf32, #tpu.memory_space<hbm>>
    %dma_start3A_155 = tpu.memref_squeeze %dma_start3A_154 : memref<1x16x768xf32, #tpu.memory_space<hbm>> -> memref<16x768xf32, #tpu.memory_space<hbm>>
    %dma_start3A_156 = arith.constant 0 : i32
    %dma_start3A_157 = tpu.memref_slice %arg4[%select_n3A, %add3A_152, %dma_start3A_156] : memref<4x4096x768xf32, #tpu.memory_space<hbm>> -> memref<1x16x768xf32, #tpu.memory_space<hbm>>
    %dma_start3A_158 = tpu.memref_squeeze %dma_start3A_157 : memref<1x16x768xf32, #tpu.memory_space<hbm>> -> memref<16x768xf32, #tpu.memory_space<hbm>>
    tpu.enqueue_dma source(%arg6 : memref<16x768xf32, #tpu.memory_space<vmem>>) target(%dma_start3A_158 : memref<16x768xf32, #tpu.memory_space<hbm>>) target_semaphore(%arg14 : memref<!tpu.dma_semaphore, #tpu.memory_space<semaphore_mem>>)
    %add3A_159 = arith.constant 432 : i32
    %add3A_160 = arith.addi %mul3A_32, %add3A_159 : i32
    %dma_wait3A_161 = arith.constant 0 : i32
    %dma_wait3A_162 = tpu.memref_slice %arg4[%select_n3A, %add3A_160, %dma_wait3A_161] : memref<4x4096x768xf32, #tpu.memory_space<hbm>> -> memref<1x16x768xf32, #tpu.memory_space<hbm>>
    %dma_wait3A_163 = tpu.memref_squeeze %dma_wait3A_162 : memref<1x16x768xf32, #tpu.memory_space<hbm>> -> memref<16x768xf32, #tpu.memory_space<hbm>>
    %dma_wait3A_164 = arith.constant 0 : i32
    %dma_wait3A_165 = tpu.memref_slice %arg4[%select_n3A, %add3A_160, %dma_wait3A_164] : memref<4x4096x768xf32, #tpu.memory_space<hbm>> -> memref<1x16x768xf32, #tpu.memory_space<hbm>>
    %dma_wait3A_166 = tpu.memref_squeeze %dma_wait3A_165 : memref<1x16x768xf32, #tpu.memory_space<hbm>> -> memref<16x768xf32, #tpu.memory_space<hbm>>
    tpu.wait_dma2 semaphore(%arg17 : memref<!tpu.dma_semaphore, #tpu.memory_space<semaphore_mem>>) src(%arg9 : memref<16x768xf32, #tpu.memory_space<vmem>>) dst(%dma_wait3A_166 : memref<16x768xf32, #tpu.memory_space<hbm>>)
    %dma_start3A_167 = arith.constant 496 : i32
    %dma_start3A_168 = tpu.memref_slice %arg5[%dma_start3A_167] : memref<512xi32, #tpu.memory_space<vmem>> -> memref<16xi32, #tpu.memory_space<vmem>>
    %dma_start3A_169 = arith.constant 0 : i32
    %dma_start3A_170 = arith.constant 0 : i32
    %dma_start3A_171 = tpu.memref_slice %arg2[%dma_start3A_169, %dma_start3A_170] : memref<100000x768xf32, #tpu.memory_space<hbm>> -> memref<100000x768xf32, #tpu.memory_space<hbm>>
    tpu.enqueue_indirect_dma source(%dma_start3A_171 : memref<100000x768xf32, #tpu.memory_space<hbm>>) target(%arg9 : memref<16x768xf32, #tpu.memory_space<vmem>>) offsets(%dma_start3A_168 : memref<16xi32, #tpu.memory_space<vmem>>) semaphore(%arg13 : memref<!tpu.dma_semaphore, #tpu.memory_space<semaphore_mem>>)
    %dma_wait3A_172 = arith.constant 464 : i32
    %dma_wait3A_173 = tpu.memref_slice %arg5[%dma_wait3A_172] : memref<512xi32, #tpu.memory_space<vmem>> -> memref<16xi32, #tpu.memory_space<vmem>>
    %dma_wait3A_174 = arith.constant 0 : i32
    %dma_wait3A_175 = arith.constant 0 : i32
    %dma_wait3A_176 = tpu.memref_slice %arg2[%dma_wait3A_174, %dma_wait3A_175] : memref<100000x768xf32, #tpu.memory_space<hbm>> -> memref<100000x768xf32, #tpu.memory_space<hbm>>
    tpu.wait_indirect_dma semaphore(%arg11 : memref<!tpu.dma_semaphore, #tpu.memory_space<semaphore_mem>>) src(%dma_wait3A_176 : memref<100000x768xf32, #tpu.memory_space<hbm>>) dst(%arg7 : memref<16x768xf32, #tpu.memory_space<vmem>>)
    %add3A_177 = arith.constant 464 : i32
    %add3A_178 = arith.addi %mul3A_32, %add3A_177 : i32
    %dma_start3A_179 = arith.constant 0 : i32
    %dma_start3A_180 = tpu.memref_slice %arg4[%select_n3A, %add3A_178, %dma_start3A_179] : memref<4x4096x768xf32, #tpu.memory_space<hbm>> -> memref<1x16x768xf32, #tpu.memory_space<hbm>>
    %dma_start3A_181 = tpu.memref_squeeze %dma_start3A_180 : memref<1x16x768xf32, #tpu.memory_space<hbm>> -> memref<16x768xf32, #tpu.memory_space<hbm>>
    %dma_start3A_182 = arith.constant 0 : i32
    %dma_start3A_183 = tpu.memref_slice %arg4[%select_n3A, %add3A_178, %dma_start3A_182] : memref<4x4096x768xf32, #tpu.memory_space<hbm>> -> memref<1x16x768xf32, #tpu.memory_space<hbm>>
    %dma_start3A_184 = tpu.memref_squeeze %dma_start3A_183 : memref<1x16x768xf32, #tpu.memory_space<hbm>> -> memref<16x768xf32, #tpu.memory_space<hbm>>
    tpu.enqueue_dma source(%arg7 : memref<16x768xf32, #tpu.memory_space<vmem>>) target(%dma_start3A_184 : memref<16x768xf32, #tpu.memory_space<hbm>>) target_semaphore(%arg15 : memref<!tpu.dma_semaphore, #tpu.memory_space<semaphore_mem>>)
    %dma_wait3A_185 = arith.constant 480 : i32
    %dma_wait3A_186 = tpu.memref_slice %arg5[%dma_wait3A_185] : memref<512xi32, #tpu.memory_space<vmem>> -> memref<16xi32, #tpu.memory_space<vmem>>
    %dma_wait3A_187 = arith.constant 0 : i32
    %dma_wait3A_188 = arith.constant 0 : i32
    %dma_wait3A_189 = tpu.memref_slice %arg2[%dma_wait3A_187, %dma_wait3A_188] : memref<100000x768xf32, #tpu.memory_space<hbm>> -> memref<100000x768xf32, #tpu.memory_space<hbm>>
    tpu.wait_indirect_dma semaphore(%arg12 : memref<!tpu.dma_semaphore, #tpu.memory_space<semaphore_mem>>) src(%dma_wait3A_189 : memref<100000x768xf32, #tpu.memory_space<hbm>>) dst(%arg8 : memref<16x768xf32, #tpu.memory_space<vmem>>)
    %add3A_190 = arith.constant 480 : i32
    %add3A_191 = arith.addi %mul3A_32, %add3A_190 : i32
    %dma_start3A_192 = arith.constant 0 : i32
    %dma_start3A_193 = tpu.memref_slice %arg4[%select_n3A, %add3A_191, %dma_start3A_192] : memref<4x4096x768xf32, #tpu.memory_space<hbm>> -> memref<1x16x768xf32, #tpu.memory_space<hbm>>
    %dma_start3A_194 = tpu.memref_squeeze %dma_start3A_193 : memref<1x16x768xf32, #tpu.memory_space<hbm>> -> memref<16x768xf32, #tpu.memory_space<hbm>>
    %dma_start3A_195 = arith.constant 0 : i32
    %dma_start3A_196 = tpu.memref_slice %arg4[%select_n3A, %add3A_191, %dma_start3A_195] : memref<4x4096x768xf32, #tpu.memory_space<hbm>> -> memref<1x16x768xf32, #tpu.memory_space<hbm>>
    %dma_start3A_197 = tpu.memref_squeeze %dma_start3A_196 : memref<1x16x768xf32, #tpu.memory_space<hbm>> -> memref<16x768xf32, #tpu.memory_space<hbm>>
    tpu.enqueue_dma source(%arg8 : memref<16x768xf32, #tpu.memory_space<vmem>>) target(%dma_start3A_197 : memref<16x768xf32, #tpu.memory_space<hbm>>) target_semaphore(%arg16 : memref<!tpu.dma_semaphore, #tpu.memory_space<semaphore_mem>>)
    %dma_wait3A_198 = arith.constant 496 : i32
    %dma_wait3A_199 = tpu.memref_slice %arg5[%dma_wait3A_198] : memref<512xi32, #tpu.memory_space<vmem>> -> memref<16xi32, #tpu.memory_space<vmem>>
    %dma_wait3A_200 = arith.constant 0 : i32
    %dma_wait3A_201 = arith.constant 0 : i32
    %dma_wait3A_202 = tpu.memref_slice %arg2[%dma_wait3A_200, %dma_wait3A_201] : memref<100000x768xf32, #tpu.memory_space<hbm>> -> memref<100000x768xf32, #tpu.memory_space<hbm>>
    tpu.wait_indirect_dma semaphore(%arg13 : memref<!tpu.dma_semaphore, #tpu.memory_space<semaphore_mem>>) src(%dma_wait3A_202 : memref<100000x768xf32, #tpu.memory_space<hbm>>) dst(%arg9 : memref<16x768xf32, #tpu.memory_space<vmem>>)
    %add3A_203 = arith.constant 496 : i32
    %add3A_204 = arith.addi %mul3A_32, %add3A_203 : i32
    %dma_start3A_205 = arith.constant 0 : i32
    %dma_start3A_206 = tpu.memref_slice %arg4[%select_n3A, %add3A_204, %dma_start3A_205] : memref<4x4096x768xf32, #tpu.memory_space<hbm>> -> memref<1x16x768xf32, #tpu.memory_space<hbm>>
    %dma_start3A_207 = tpu.memref_squeeze %dma_start3A_206 : memref<1x16x768xf32, #tpu.memory_space<hbm>> -> memref<16x768xf32, #tpu.memory_space<hbm>>
    %dma_start3A_208 = arith.constant 0 : i32
    %dma_start3A_209 = tpu.memref_slice %arg4[%select_n3A, %add3A_204, %dma_start3A_208] : memref<4x4096x768xf32, #tpu.memory_space<hbm>> -> memref<1x16x768xf32, #tpu.memory_space<hbm>>
    %dma_start3A_210 = tpu.memref_squeeze %dma_start3A_209 : memref<1x16x768xf32, #tpu.memory_space<hbm>> -> memref<16x768xf32, #tpu.memory_space<hbm>>
    tpu.enqueue_dma source(%arg9 : memref<16x768xf32, #tpu.memory_space<vmem>>) target(%dma_start3A_210 : memref<16x768xf32, #tpu.memory_space<hbm>>) target_semaphore(%arg17 : memref<!tpu.dma_semaphore, #tpu.memory_space<semaphore_mem>>)
    %add3A_211 = arith.constant 448 : i32
    %add3A_212 = arith.addi %mul3A_32, %add3A_211 : i32
    %dma_wait3A_213 = arith.constant 0 : i32
    %dma_wait3A_214 = tpu.memref_slice %arg4[%select_n3A, %add3A_212, %dma_wait3A_213] : memref<4x4096x768xf32, #tpu.memory_space<hbm>> -> memref<1x16x768xf32, #tpu.memory_space<hbm>>
    %dma_wait3A_215 = tpu.memref_squeeze %dma_wait3A_214 : memref<1x16x768xf32, #tpu.memory_space<hbm>> -> memref<16x768xf32, #tpu.memory_space<hbm>>
    %dma_wait3A_216 = arith.constant 0 : i32
    %dma_wait3A_217 = tpu.memref_slice %arg4[%select_n3A, %add3A_212, %dma_wait3A_216] : memref<4x4096x768xf32, #tpu.memory_space<hbm>> -> memref<1x16x768xf32, #tpu.memory_space<hbm>>
    %dma_wait3A_218 = tpu.memref_squeeze %dma_wait3A_217 : memref<1x16x768xf32, #tpu.memory_space<hbm>> -> memref<16x768xf32, #tpu.memory_space<hbm>>
    tpu.wait_dma2 semaphore(%arg14 : memref<!tpu.dma_semaphore, #tpu.memory_space<semaphore_mem>>) src(%arg6 : memref<16x768xf32, #tpu.memory_space<vmem>>) dst(%dma_wait3A_218 : memref<16x768xf32, #tpu.memory_space<hbm>>)
    %add3A_219 = arith.constant 464 : i32
    %add3A_220 = arith.addi %mul3A_32, %add3A_219 : i32
    %dma_wait3A_221 = arith.constant 0 : i32
    %dma_wait3A_222 = tpu.memref_slice %arg4[%select_n3A, %add3A_220, %dma_wait3A_221] : memref<4x4096x768xf32, #tpu.memory_space<hbm>> -> memref<1x16x768xf32, #tpu.memory_space<hbm>>
    %dma_wait3A_223 = tpu.memref_squeeze %dma_wait3A_222 : memref<1x16x768xf32, #tpu.memory_space<hbm>> -> memref<16x768xf32, #tpu.memory_space<hbm>>
    %dma_wait3A_224 = arith.constant 0 : i32
    %dma_wait3A_225 = tpu.memref_slice %arg4[%select_n3A, %add3A_220, %dma_wait3A_224] : memref<4x4096x768xf32, #tpu.memory_space<hbm>> -> memref<1x16x768xf32, #tpu.memory_space<hbm>>
    %dma_wait3A_226 = tpu.memref_squeeze %dma_wait3A_225 : memref<1x16x768xf32, #tpu.memory_space<hbm>> -> memref<16x768xf32, #tpu.memory_space<hbm>>
    tpu.wait_dma2 semaphore(%arg15 : memref<!tpu.dma_semaphore, #tpu.memory_space<semaphore_mem>>) src(%arg7 : memref<16x768xf32, #tpu.memory_space<vmem>>) dst(%dma_wait3A_226 : memref<16x768xf32, #tpu.memory_space<hbm>>)
    %add3A_227 = arith.constant 480 : i32
    %add3A_228 = arith.addi %mul3A_32, %add3A_227 : i32
    %dma_wait3A_229 = arith.constant 0 : i32
    %dma_wait3A_230 = tpu.memref_slice %arg4[%select_n3A, %add3A_228, %dma_wait3A_229] : memref<4x4096x768xf32, #tpu.memory_space<hbm>> -> memref<1x16x768xf32, #tpu.memory_space<hbm>>
    %dma_wait3A_231 = tpu.memref_squeeze %dma_wait3A_230 : memref<1x16x768xf32, #tpu.memory_space<hbm>> -> memref<16x768xf32, #tpu.memory_space<hbm>>
    %dma_wait3A_232 = arith.constant 0 : i32
    %dma_wait3A_233 = tpu.memref_slice %arg4[%select_n3A, %add3A_228, %dma_wait3A_232] : memref<4x4096x768xf32, #tpu.memory_space<hbm>> -> memref<1x16x768xf32, #tpu.memory_space<hbm>>
    %dma_wait3A_234 = tpu.memref_squeeze %dma_wait3A_233 : memref<1x16x768xf32, #tpu.memory_space<hbm>> -> memref<16x768xf32, #tpu.memory_space<hbm>>
    tpu.wait_dma2 semaphore(%arg16 : memref<!tpu.dma_semaphore, #tpu.memory_space<semaphore_mem>>) src(%arg8 : memref<16x768xf32, #tpu.memory_space<vmem>>) dst(%dma_wait3A_234 : memref<16x768xf32, #tpu.memory_space<hbm>>)
    %add3A_235 = arith.constant 496 : i32
    %add3A_236 = arith.addi %mul3A_32, %add3A_235 : i32
    %dma_wait3A_237 = arith.constant 0 : i32
    %dma_wait3A_238 = tpu.memref_slice %arg4[%select_n3A, %add3A_236, %dma_wait3A_237] : memref<4x4096x768xf32, #tpu.memory_space<hbm>> -> memref<1x16x768xf32, #tpu.memory_space<hbm>>
    %dma_wait3A_239 = tpu.memref_squeeze %dma_wait3A_238 : memref<1x16x768xf32, #tpu.memory_space<hbm>> -> memref<16x768xf32, #tpu.memory_space<hbm>>
    %dma_wait3A_240 = arith.constant 0 : i32
    %dma_wait3A_241 = tpu.memref_slice %arg4[%select_n3A, %add3A_236, %dma_wait3A_240] : memref<4x4096x768xf32, #tpu.memory_space<hbm>> -> memref<1x16x768xf32, #tpu.memory_space<hbm>>
    %dma_wait3A_242 = tpu.memref_squeeze %dma_wait3A_241 : memref<1x16x768xf32, #tpu.memory_space<hbm>> -> memref<16x768xf32, #tpu.memory_space<hbm>>
    tpu.wait_dma2 semaphore(%arg17 : memref<!tpu.dma_semaphore, #tpu.memory_space<semaphore_mem>>) src(%arg9 : memref<16x768xf32, #tpu.memory_space<vmem>>) dst(%dma_wait3A_242 : memref<16x768xf32, #tpu.memory_space<hbm>>)
    return
  }
}

</mosaic_0001>

<sc_bundles>
// kernel: kernel.3.cloned.1.call-start
scs
__scs_entry_jumppad:
0x0: {  	(pc) =	sbr.rel $0x88, $3  }
0x1: {  	(tag) =	ssettag $0x0;
	lr =	simm.s32 $0x1  }
0x2: {  	[smem:$0x3F9F] =	sst lr;
	_ =	strace $0xD0000000  }
0x3: {  	_ = 	snop  }
0x4: {  	_ = 	snop  }
0x5: {  	_ = 	snop  }
0x6: {  	_ = 	snop  }
0x7: {  	_ = 	snop  }
__scs_overlays_trampoline_lowered:
0x8: {  	[smem:$0x3FAE] =	sst s0  }
0x9: {  	[smem:$0x3FAF] =	sst s1  }
0xa: {  	[smem:$0x3FB0] =	sst s2  }
0xb: {  	[smem:$0x3FB1] =	sst s3  }
0xc: {  	[smem:$0x3FB2] =	sst s4  }
0xd: {  	[smem:$0x3FB3] =	sst s5  }
0xe: {  	[smem:$0x3FB4] =	sst s6  }
0xf: {  	[smem:$0x3FB5] =	sst s7  }
0x10: {  	[smem:$0x3FB6] =	sst s8  }
0x11: {  	[smem:$0x3FB7] =	sst s9;
	s0 =	simm.s32 @!p0 $0x0  }
0x12: {  	s1 =	sld [smem:$0x3F9D];
	s0 =	simm.s32 @p0 $0x1  }
0x13: {  	[smem:$0x3FB8] =	sst s0;
	s0 =	simm.s32 @!p1 $0x0  }
0x14: {  	s2 =	sld [smem:$0x3F9C];
	s0 =	simm.s32 @p1 $0x1  }
0x15: {  	[smem:$0x3FB9] =	sst s0;
	s0 =	simm.s32 @!p2 $0x0  }
0x16: {  	s3 =	sld [smem:$0x3FDB];
	s0 =	simm.s32 @p2 $0x1  }
0x17: {  	s4 =	simm.s32 $0x1BF5;
	[smem:$0x3FBB] =	sst s0  }
0x18: {  	s0 =	sld [smem:$0x3F9E];
	_ =	swait.ge [sflag:s4], $0x0  }
0x19: {  	s7 =	sld [smem:$0x3F9F]  }
0x1a: {  	s8 =	sadd.s32 $0xFFFFE003, lr  }
0x1b: {  	s9 =	sadd.s32 $0xFFFFFEF7, lr;
	s5 =	simm.s32 $0xFFFFFFFF;
	p2 =	slt.u32 s8, $0xFFFFF086  }
0x1c: {  	p1 =	slt.u32 s9, $0xF7A;
	s5 =	simm.s32 @!p2 $0x0  }
0x1d: {  	s5 =	simm.s32 @p1 $0x1;
	p0 =	seq.s32 s7, s2  }
0x1e: {  	s7 =	smul.u32 @!p0 $0xF7A, s2;
	p2 =	seq.s32 @!p0 s5, $0x0  }
0x1f: {  	s9 =	smul.u32 $0xF7A, s1;
	s8 =	simm.s32 @!p0 $0x1BF5;
	p2 =	por !p2, p0  }
0x20: {  	[sflag:s8] =	ssyncset.s32 @!p0 $0xFFFFF086;
	s6 =	sadd.s32 @!p0 s3, s7;
	s7 =	simm.s32 @!p0 $0x108  }
0x21: {  	s3 =	sadd.s32 s3, s9;
	s6 =	sadd.s32 @!p0 $0x88, s6;
	s7 =	simm.s32 @p2 $0x1082  }
0x22: {  	[simem:s7], [sflag:s8] =	dma.local @!p0 [hbm:s6], $0xF7A  }
0x23: {  	s9 =	sor.u32 $0xD0000000, s2;
	s6 =	simm.s32 $0x108;
	_ =	swait.ge @!p0 [sflag:s8], $0x0  }
0x24: {  	s3 =	sadd.s32 $0x88, s3;
	s6 =	simm.s32 @!p1 $0x1082;
	[sflag:s4] =	ssyncset.s32 $0xFFFFF086  }
0x25: {  	[simem:s6], [sflag:s4] =	dma.local [hbm:s3], $0xF7A  }
0x26: {  	[smem:$0x3F9F] =	sst s1;
	(tag) =	ssettag s2;
	_ =	strace s9  }
0x27: {  	s1 =	sld [smem:$0x3FAF]  }
0x28: {  	s2 =	sld [smem:$0x3FB0]  }
0x29: {  	s4 =	sld [smem:$0x3FB2]  }
0x2a: {  	p0 =	seq.s32 s5, $0x0;
	s5 =	sld [smem:$0x3FB3]  }
0x2b: {  	s6 =	sld [smem:$0x3FB4]  }
0x2c: {  	s7 =	sld [smem:$0x3FB5]  }
0x2d: {  	s3 =	simm.s32 $0x108;
	s8 =	sld [smem:$0x3FB6]  }
0x2e: {  	s3 =	simm.s32 @!p0 $0x1082;
	s9 =	sld [smem:$0x3FB7]  }
0x2f: {  	lr =	sadd.s32 s0, s3;
	s0 =	sld [smem:$0x3FAE]  }
0x30: {  	s3 =	sld [smem:$0x3FB1]  }
0x31: {  	[smem:$0x3FBA] =	sst s10  }
0x32: {  	s10 =	sld [smem:$0x3FB8];
	_ =	sdelay $0x3  }
0x33: {  	p0 =	seq.s32 s10, $0x1;
	s10 =	sld [smem:$0x3FBA];
	_ =	sdelay $0x3  }
0x34: {  	[smem:$0x3FBA] =	sst s10  }
0x35: {  	s10 =	sld [smem:$0x3FB9];
	_ =	sdelay $0x3  }
0x36: {  	p1 =	seq.s32 s10, $0x1;
	s10 =	sld [smem:$0x3FBA];
	_ =	sdelay $0x3  }
0x37: {  	[smem:$0x3FBA] =	sst s10  }
0x38: {  	s10 =	sld [smem:$0x3FBB]  }
0x39: {  	_ = 	snop;
	(pc) =	sbr.ind lr, $3  }
0x3a: {  	_ = 	snop  }
0x3b: {  	_ = 	snop  }
0x3c: {  	p2 =	seq.s32 s10, $0x1;
	s10 =	sld [smem:$0x3FBA]  }
0x3d: {  	_ =	shalt  }
0x3e: {  	_ =	shalt  }
0x3f: {  	_ =	shalt  }
0x40: {  	_ =	shalt  }
0x41: {  	_ =	shalt  }
0x42: {  	_ =	shalt  }
0x43: {  	_ =	shalt  }
0x44: {  	_ =	shalt  }
0x45: {  	_ =	shalt  }
0x46: {  	_ =	shalt  }
0x47: {  	_ =	shalt  }
0x48: {  	_ =	shalt  }
0x49: {  	_ =	shalt  }
0x4a: {  	_ =	shalt  }
0x4b: {  	_ =	shalt  }
0x4c: {  	_ =	shalt  }
0x4d: {  	_ =	shalt  }
0x4e: {  	_ =	shalt  }
0x4f: {  	_ =	shalt  }
0x50: {  	_ =	shalt  }
0x51: {  	_ =	shalt  }
0x52: {  	_ =	shalt  }
0x53: {  	_ =	shalt  }
0x54: {  	_ =	shalt  }
0x55: {  	_ =	shalt  }
0x56: {  	_ =	shalt  }
0x57: {  	_ =	shalt  }
0x58: {  	_ =	shalt  }
0x59: {  	_ =	shalt  }
0x5a: {  	_ =	shalt  }
0x5b: {  	_ =	shalt  }
0x5c: {  	_ =	shalt  }
0x5d: {  	_ =	shalt  }
0x5e: {  	_ =	shalt  }
0x5f: {  	_ =	shalt  }
0x60: {  	_ =	shalt  }
0x61: {  	_ =	shalt  }
0x62: {  	_ =	shalt  }
0x63: {  	_ =	shalt  }
0x64: {  	_ =	shalt  }
0x65: {  	_ =	shalt  }
0x66: {  	_ =	shalt  }
0x67: {  	_ =	shalt  }
0x68: {  	_ =	shalt  }
0x69: {  	_ =	shalt  }
0x6a: {  	_ =	shalt  }
0x6b: {  	_ =	shalt  }
0x6c: {  	_ =	shalt  }
0x6d: {  	_ =	shalt  }
0x6e: {  	_ =	shalt  }
0x6f: {  	_ =	shalt  }
0x70: {  	_ =	shalt  }
0x71: {  	_ =	shalt  }
0x72: {  	_ =	shalt  }
0x73: {  	_ =	shalt  }
0x74: {  	_ =	shalt  }
0x75: {  	_ =	shalt  }
0x76: {  	_ =	shalt  }
0x77: {  	_ =	shalt  }
0x78: {  	_ =	shalt  }
0x79: {  	_ =	shalt  }
0x7a: {  	_ =	shalt  }
0x7b: {  	_ =	shalt  }
0x7c: {  	_ =	shalt  }
0x7d: {  	_ =	shalt  }
0x7e: {  	_ =	shalt  }
0x7f: {  	_ =	shalt  }
0x80: {  	_ =	shalt  }
0x81: {  	_ =	shalt  }
0x82: {  	_ =	shalt  }
0x83: {  	_ =	shalt  }
0x84: {  	_ =	shalt  }
0x85: {  	_ =	shalt  }
0x86: {  	_ =	shalt  }
0x87: {  	_ =	shalt  }
.Lfunc_end0:
.L_simem_size_0:
called_computation_lowered:
.L_overlay_start_0:
0x88: {  	s2 =	sld [smem:$0x3FD9]  }
0x89: {  	s3 =	sld [smem:$0x3FFE];
	_ =	sdelay $0x1  }
0x8a: {  	s1 =	srdreg.scid  }
0x8b: {  	s0 =	sand.u32 $0x1, s1  }
0x8c: {  	s18 =	sshll.u32 s0, $0xA;
	s2 =	sadd.s32 s3, s2  }
0x8d: {  	s2 =	sadd.s32 s2, s18  }
0x8e: {  	[smem:$0x3FC6] =	sst s2  }
0x8f: {  	_ = 	snop  }
0x90: {  	s2 =	sld [smem:$0x3FC9]  }
0x91: {  	s19 =	sld [smem:$0x3FC8]  }
0x92: {  	s4 =	sld [smem:$0x3FD0];
	(tm) =	ssettm $0x1  }
0x93: {  	s5 =	sld [smem:$0x3FFB];
	_ =	sdelay $0x3  }
0x94: {  	_ =	strace s5  }
0x95: {  	s5 =	sld [smem:$0x3FFC];
	_ =	sdelay $0x3  }
0x96: {  	_ =	strace s5  }
0x97: {  	s5 =	sld [smem:$0x3FFD];
	_ =	sdelay $0x3  }
0x98: {  	_ =	strace s5  }
0x99: {  	_ =	strace $0x8FFFFFFF  }
0x9a: {  	s20 =	sld [smem:$0x3FDB];
	_ =	sdelay $0x1  }
0x9b: {  	s6 =	simm.s32 $_scs_section_size  }
0x9c: {  	s7 =	simm.s32 $_size__tile_overlayer_lowered;
	s8 =	simm.s32 $_tile_overlayer_lowered  }
0x9d: {  	s23 =	simm.s32 $0x1BFF;
	s22 =	sshll.u32 s8, $0x1;
	s5 =	sadd.s32 s6, s20  }
0x9e: {  	s9 =	simm.s32 $0x0;
	s21 =	sshll.u32 s7, $0x1;
	s7 =	sadd.s32 s22, s5  }
0x9f: {  	[timem:s9], [sflag:s23] =	dma.local [hbm:s7], s21  }
0xa0: {  	_ =	swait.ge [sflag:s23], s21  }
0xa1: {  	s6 =	ssub.s32 $0x0, s21;
	[sflag:s23] =	ssyncset.done $0x0  }
0xa2: {  	[sflag:s23] =	ssyncadd.s32 s6;
	_ =	sdelay $0x1  }
0xa3: {  	s24 =	simm.s32 $0x1B8B  }
0xa4: {  	_ =	swait.ge [sflag:s24], $0x1  }
0xa5: {  	[sflag:s24] =	ssyncset.done $0x0  }
0xa6: {  	s25 =	simm.s32 $0x1B8E;
	[sflag:s24] =	ssyncadd.s32 $0xFFFFFFFF  }
0xa7: {  	s26 =	simm.s32 $execute0_lowered;
	[smem:$0x3FD2] =	sst s25  }
0xa8: {  	s6 =	sshll.u32 s26, $0x1;
	_ =	strace $0x80000046;
	[dreg:$0x1] =	wrdreg $0xFFFFFFFF  }
0xa9: {  	s28 =	simm.s32 $_size_execute0_lowered;
	s5 =	sadd.s32 s5, s6;
	[dreg:$0x0] =	wrdreg $0x0  }
0xaa: {  	s6 =	sshll.u32 s28, $0x1;
	[dreg:$0x2] =	wrdreg s5  }
0xab: {  	[dreg:$0x3] =	wrdreg s6  }
0xac: {  	[dreg:$0x4] =	wrdreg $0xC0  }
0xad: {  	_ =	task [dreg:s9], $0x5FFFF  }
0xae: {  	[dreg:$0x1] =	wrdreg $0xFFFFFFFF  }
0xaf: {  	[dreg:$0x0] =	wrdreg $0x60  }
0xb0: {  	[dreg:$0x2] =	wrdreg s19  }
0xb1: {  	[dreg:$0x3] =	wrdreg s2  }
0xb2: {  	[dreg:$0x4] =	wrdreg s4  }
0xb3: {  	[dreg:$0x5] =	wrdreg $0x9  }
0xb4: {  	_ =	task.clear_ibuf [dreg:s9], $0x6FFFF;
	_ =	strace $0x90000046  }
0xb5: {  	s29 =	simm.s32 $0x9;
	_ =	strace $0x80000048  }
0xb6: {  	_ =	swait.ge [sflag:s29], $0x1  }
0xb7: {  	[sflag:s29] =	ssyncadd.s32 $0xFFFFFFFF  }
0xb8: {  	_ =	strace $0x90000048  }
0xb9: {  	_ =	sfence  }
0xba: {  	s30 =	sld [smem:$0x0];
	_ =	sdelay $0x2  }
0xbb: {  	s31 =	sshll.u32 s1, $0xD;
	s1 =	sshrl.u32 s1, $0x2  }
0xbc: {  	s3 =	sand.u32 $0x4000, s31;
	s1 =	sadd.s32 s1, s30  }
0xbd: {  	s0 =	sor.u32 s3, s0;
	s1 =	sshll.u32 s1, $0x11  }
0xbe: {  	s0 =	sor.u32 s1, s0  }
0xbf: {  	s0 =	sadd.s32 $0x8F2B, s0  }
0xc0: {  	[sflag:s0] =	ssyncadd.remote.s32 $0x1  }
0xc1: {  	_ =	sfence.sel $0xFFFF  }
0xc2: {  	[dreg:$0x0] =	wrdreg $0xFFFFFFFF;
	(pc) =	sbr.abs _section_cstart, $3  }
0xc3: {  	[dreg:$0x1] =	wrdreg $0xFFFFFFFF  }
0xc4: {  	_ =	task.clear_ibuf [dreg:s9], $0x2FFFF;
	_ =	strace $0x9FFFFFFF  }
0xc5: {  	(tm) =	ssettm $0x7FFFFFFF  }
tec
execute0_lowered:
.L_overlay_start_1:
0x0: {  	(tag) =	ssettag $0x1  }
0x1: {  	s1 =	rddreg [dreg:$0x0]  }
0x2: {  	s2 =	rddreg [dreg:$0x1]  }
0x3: {  	s0 =	rddreg [dreg:$0x2];
	s3 =	simm.s32 $0x0  }
0x4: {  	s11 =	stileid.u32;
	s4 =	srdreg.scid;
	s28 =	simm.s32 $0xA00  }
0x5: {  	s29 =	simm.s32 $0x1200;
	s30 =	simm.s32 $0x1A00;
	s31 =	simm.s32 $0x8200  }
0x6: {  	[smem:$0x7FF] =	sst s3;
	s5 =	sshll.u32 s11, $0x1;
	s4 =	sand.u32 $0x1, s4  }
0x7: {  	s6 =	sshrl.u32 s11, $0x2;
	_ =	strace $0x80000047;
	s5 =	sand.u32 $0x6, s5  }
0x8: {  	s7 =	ssub.s32 $0x2, s4;
	s8 =	smul.u32 $0x300000, s6;
	s6 =	sshll.u32 s6, $0x4  }
0x9: {  	s5 =	sor.u32 s4, s5;
	s9 =	sshrl.u32 s7, $0x1;
	s2 =	sadd.s32 s2, s6  }
0xa: {  	s4 =	sshll.u32 s4, $0x9;
	s10 =	smul.u32 $0x60000, s5;
	s5 =	sshll.u32 s5, $0x8  }
0xb: {  	s9 =	ssub.s32 s7, s9;
	s7 =	sand.u32 $0x3, s11;
	s2 =	sadd.s32 s5, s2  }
0xc: {  	s5 =	sadd.s32 $0x100, s1;
	s26 =	smax.u32 s9, $0x1;
	s9 =	simm.s32 $0x1  }
0xd: {  	[dreg:$0x8] =	wrdreg s2;
	s6 =	sadd.s32 s8, s10;
	s10 =	sshll.u32 s7, $0xA  }
0xe: {  	s7 =	sadd.s32 $0x200, s1;
	s2 =	sshrl.u32 s6, $0x3;
	s12 =	sor.u32 s4, s10  }
0xf: {  	[dreg:$0x11] =	wrdreg s26;
	s11 =	sadd.s32 s0, s2;
	s14 =	sor.u32 $0x40, s12  }
0x10: {  	s21 =	sor.u32 $0x70, s12;
	s22 =	sor.u32 $0x60, s12;
	s2 =	sor.u32 $0x50, s12  }
0x11: {  	s12 =	simm.s32 $0x5A00;
	s13 =	sadd.s32 $0x600, s11;
	s15 =	sadd.s32 $0xC00, s11  }
0x12: {  	s16 =	sadd.s32 $0x1200, s11;
	s4 =	sshrl.u32 s14, $0x3;
	[dreg:$0x9] =	wrdreg s11  }
0x13: {  	s17 =	sadd.s32 $0xA800, s11;
	s18 =	sadd.s32 $0xAE00, s11;
	[dreg:$0xa] =	wrdreg s13  }
0x14: {  	s19 =	sadd.s32 $0xB400, s11;
	s20 =	sadd.s32 $0xBA00, s11;
	[dreg:$0xb] =	wrdreg s15  }
0x15: {  	s6 =	sshrl.u32 s21, $0x3;
	s10 =	sshrl.u32 s22, $0x3;
	[dreg:$0xc] =	wrdreg s16  }
0x16: {  	s2 =	sshrl.u32 s2, $0x3;
	s11 =	simm.s32 $0x5200;
	[dreg:$0xd] =	wrdreg s17  }
0x17: {  	s14 =	simm.s32 $0x7200;
	[dreg:$0xe] =	wrdreg s18;
	s4 =	smul.u32 $0x1800, s4  }
0x18: {  	s21 =	simm.s32 $0x4;
	[dreg:$0xf] =	wrdreg s19;
	s6 =	smul.u32 $0x1800, s6  }
0x19: {  	s22 =	simm.s32 $0x7;
	[dreg:$0x10] =	wrdreg s20;
	s10 =	smul.u32 $0x1800, s10  }
0x1a: {  	s2 =	smul.u32 $0x1800, s2;
	s16 =	simm.s32 $0x3A00;
	s13 =	simm.s32 $0x6A00  }
0x1b: {  	s15 =	simm.s32 $0x7A00;
	s18 =	simm.s32 $0x5;
	s19 =	simm.s32 $0x3  }
0x1c: {  	s20 =	simm.s32 $0x6;
	s4 =	sadd.s32 s4, s8;
	s6 =	sadd.s32 s6, s8  }
0x1d: {  	s24 =	sadd.s32 s10, s8;
	s2 =	sadd.s32 s2, s8;
	s8 =	simm.s32 $0x4A00  }
0x1e: {  	s10 =	simm.s32 $0x0;
	s4 =	sshrl.u32 s4, $0x3;
	s23 =	sshrl.u32 s6, $0x3  }
0x1f: {  	s6 =	sshrl.u32 s24, $0x3;
	s2 =	sshrl.u32 s2, $0x3;
	s4 =	sadd.s32 s4, s0  }
0x20: {  	s25 =	sadd.s32 s6, s0;
	s6 =	simm.s32 $0x2;
	[dreg:$0x4] =	wrdreg s4  }
0x21: {  	v2 =	vlaneseq.u32;
	s4 =	sadd.s32 s23, s0;
	[dreg:$0x6] =	wrdreg s25;
	s0 =	sadd.s32 s2, s0  }
0x22: {  	vm0 =	vmmov $0xffff;
	v1 =	vshrl.u32 v2, $0x3;
	s2 =	simm.s32 $0x2A00;
	s23 =	simm.s32 $0x8;
	[dreg:$0x5] =	wrdreg s4  }
0x23: {  	v0 =	vand.u32 $0x7, v2;
	v2 =	vor.u32 $0x8, v2;
	v1 =	vmul.u32 $0x8, v1;
	[dreg:$0x7] =	wrdreg s0;
	s0 =	simm.s32 $0x2200;
	s4 =	simm.s32 $0x4200  }
.LBB2_1:
0x24: {  	[dreg:$0x12] =	wrdreg s10  }
0x25: {  	s25 =	rddreg [dreg:$0x8]  }
0x26: {  	s26 =	simm.s32 $0x80;
	s17 =	simm.s32 $0x200;
	s24 =	simm.s32 $0x9  }
0x27: {  	[tilespmem:s3], [sflag:$0x9] =	stream.strided.gather [hbm4b:s25+s26], $0x200, s17, s26, $0x38;
	[tilespmem:$0xC200] =	vst v63  }
0x28: {  	_ =	swait.ge [sflag:s24], $0x200  }
0x29: {  	[sflag:s24] =	ssyncset.done $0x0  }
0x2a: {  	[sflag:s24] =	ssyncadd.s32 $0xFFFFFE00  }
0x2b: {  	v3 =	vld [tilespmem:$0x0];
	_ =	sdelay $0x4  }
0x2c: {  	v4 =	vshrl.u32 v3, $0x3  }
0x2d: {  	v4 =	vmul.u32 $0x30, v4  }
0x2e: {  	v3 =	vand.u32 $0x7, v3  }
0x2f: {  	v3 =	vor.u32 v3, v4  }
0x30: {  	v4 =	vperm.xlane v3, v0;
	_ =	sdelay $0x1  }
0x31: {  	v4 =	vadd.s32 v1, v4;
	_ =	sdelay $0x3  }
0x32: {  	v3 =	vperm.xlane v3, v2  }
0x33: {  	[tilespmem:s17], [sflag:$0x1] =	stream.indirect_vreg.gather [hbm4b:s1+s3], $0x80, v4, vm0, $0xb8;
	[tilespmem:$0xC200] =	vst v63  }
0x34: {  	v3 =	vadd.s32 v1, v3  }
0x35: {  	[tilespmem:s28], [sflag:$0x1] =	stream.indirect_vreg.gather [hbm4b:s5+s3], $0x80, v4, vm0, $0xb8;
	[tilespmem:$0xC200] =	vst v63  }
0x36: {  	_ = 	snop  }
0x37: {  	[tilespmem:s29], [sflag:$0x1] =	stream.indirect_vreg.gather [hbm4b:s7+s3], $0x80, v4, vm0, $0xb8;
	[tilespmem:$0xC200] =	vst v63  }
0x38: {  	_ = 	snop  }
0x39: {  	[tilespmem:s30], [sflag:$0x1] =	stream.indirect_vreg.gather [hbm4b:s1+s3], $0x80, v3, vm0, $0xb8;
	[tilespmem:$0xC200] =	vst v63  }
0x3a: {  	_ = 	snop  }
0x3b: {  	[tilespmem:s0], [sflag:$0x1] =	stream.indirect_vreg.gather [hbm4b:s5+s3], $0x80, v3, vm0, $0xb8;
	[tilespmem:$0xC200] =	vst v63  }
0x3c: {  	_ = 	snop  }
0x3d: {  	[tilespmem:s2], [sflag:$0x1] =	stream.indirect_vreg.gather [hbm4b:s7+s3], $0x80, v3, vm0, $0xb8;
	[tilespmem:$0xC200] =	vst v63  }
0x3e: {  	v3 =	vld [tilespmem:$0x10];
	_ =	sdelay $0x4  }
0x3f: {  	v58 =	vshrl.u32 v3, $0x3  }
0x40: {  	v4 =	vmul.u32 $0x30, v58  }
0x41: {  	v3 =	vand.u32 $0x7, v3  }
0x42: {  	v3 =	vor.u32 v3, v4  }
0x43: {  	v4 =	vperm.xlane v3, v0;
	_ =	sdelay $0x1  }
0x44: {  	v4 =	vadd.s32 v1, v4;
	_ =	sdelay $0x3  }
0x45: {  	s24 =	simm.s32 $0x3200;
	v3 =	vperm.xlane v3, v2  }
0x46: {  	[tilespmem:s24], [sflag:$0x2] =	stream.indirect_vreg.gather [hbm4b:s1+s3], $0x80, v4, vm0, $0xb8;
	[tilespmem:$0xC200] =	vst v63  }
0x47: {  	v3 =	vadd.s32 v1, v3  }
0x48: {  	[tilespmem:s16], [sflag:$0x2] =	stream.indirect_vreg.gather [hbm4b:s5+s3], $0x80, v4, vm0, $0xb8;
	[tilespmem:$0xC200] =	vst v63  }
0x49: {  	_ = 	snop  }
0x4a: {  	[tilespmem:s4], [sflag:$0x2] =	stream.indirect_vreg.gather [hbm4b:s7+s3], $0x80, v4, vm0, $0xb8;
	[tilespmem:$0xC200] =	vst v63  }
0x4b: {  	_ = 	snop  }
0x4c: {  	[tilespmem:s8], [sflag:$0x2] =	stream.indirect_vreg.gather [hbm4b:s1+s3], $0x80, v3, vm0, $0xb8;
	[tilespmem:$0xC200] =	vst v63  }
0x4d: {  	_ = 	snop  }
0x4e: {  	[tilespmem:s11], [sflag:$0x2] =	stream.indirect_vreg.gather [hbm4b:s5+s3], $0x80, v3, vm0, $0xb8;
	[tilespmem:$0xC200] =	vst v63  }
0x4f: {  	_ = 	snop  }
0x50: {  	[tilespmem:s12], [sflag:$0x2] =	stream.indirect_vreg.gather [hbm4b:s7+s3], $0x80, v3, vm0, $0xb8;
	[tilespmem:$0xC200] =	vst v63  }
0x51: {  	v3 =	vld [tilespmem:$0x20];
	_ =	sdelay $0x4  }
0x52: {  	v59 =	vshrl.u32 v3, $0x3  }
0x53: {  	v4 =	vmul.u32 $0x30, v59  }
0x54: {  	v3 =	vand.u32 $0x7, v3  }
0x55: {  	v3 =	vor.u32 v3, v4  }
0x56: {  	v4 =	vperm.xlane v3, v0;
	_ =	sdelay $0x1  }
0x57: {  	v4 =	vadd.s32 v1, v4;
	_ =	sdelay $0x3  }
0x58: {  	s10 =	simm.s32 $0x6200;
	v3 =	vperm.xlane v3, v2  }
0x59: {  	[tilespmem:s10], [sflag:$0x3] =	stream.indirect_vreg.gather [hbm4b:s1+s3], $0x80, v4, vm0, $0xb8;
	[tilespmem:$0xC200] =	vst v63  }
0x5a: {  	v3 =	vadd.s32 v1, v3  }
0x5b: {  	[tilespmem:s13], [sflag:$0x3] =	stream.indirect_vreg.gather [hbm4b:s5+s3], $0x80, v4, vm0, $0xb8;
	[tilespmem:$0xC200] =	vst v63  }
0x5c: {  	_ = 	snop  }
0x5d: {  	[tilespmem:s14], [sflag:$0x3] =	stream.indirect_vreg.gather [hbm4b:s7+s3], $0x80, v4, vm0, $0xb8;
	[tilespmem:$0xC200] =	vst v63  }
0x5e: {  	_ = 	snop  }
0x5f: {  	[tilespmem:s15], [sflag:$0x3] =	stream.indirect_vreg.gather [hbm4b:s1+s3], $0x80, v3, vm0, $0xb8;
	[tilespmem:$0xC200] =	vst v63  }
0x60: {  	_ = 	snop  }
0x61: {  	[tilespmem:s31], [sflag:$0x3] =	stream.indirect_vreg.gather [hbm4b:s5+s3], $0x80, v3, vm0, $0xb8;
	[tilespmem:$0xC200] =	vst v63  }
0x62: {  	s26 =	simm.s32 $0x8A00  }
0x63: {  	[tilespmem:s26], [sflag:$0x3] =	stream.indirect_vreg.gather [hbm4b:s7+s3], $0x80, v3, vm0, $0xb8;
	[tilespmem:$0xC200] =	vst v63  }
0x64: {  	_ =	swait.ge [sflag:s9], $0x3000  }
0x65: {  	[sflag:s9] =	ssyncset.done $0x0  }
0x66: {  	s26 =	rddreg [dreg:$0x9];
	[sflag:s9] =	ssyncadd.s32 $0xFFFFD000  }
0x67: {  	[hbm4b:s26+s3] =	stream.linear.scatter [tilespmem:s17], [sflag:$0x5], $0x3000, $0x38;
	[tilespmem:$0xC200] =	vst v63  }
0x68: {  	v3 =	vld [tilespmem:$0x30];
	_ =	sdelay $0x4  }
0x69: {  	v60 =	vshrl.u32 v3, $0x3  }
0x6a: {  	v4 =	vmul.u32 $0x30, v60  }
0x6b: {  	v3 =	vand.u32 $0x7, v3  }
0x6c: {  	v3 =	vor.u32 v3, v4  }
0x6d: {  	v4 =	vperm.xlane v3, v0;
	_ =	sdelay $0x1  }
0x6e: {  	v4 =	vadd.s32 v1, v4;
	_ =	sdelay $0x3  }
0x6f: {  	s26 =	simm.s32 $0x9200;
	v3 =	vperm.xlane v3, v2  }
0x70: {  	[tilespmem:s26], [sflag:$0x4] =	stream.indirect_vreg.gather [hbm4b:s1+s3], $0x80, v4, vm0, $0xb8;
	[tilespmem:$0xC200] =	vst v63  }
0x71: {  	s25 =	simm.s32 $0x9A00;
	v3 =	vadd.s32 v1, v3  }
0x72: {  	[tilespmem:s25], [sflag:$0x4] =	stream.indirect_vreg.gather [hbm4b:s5+s3], $0x80, v4, vm0, $0xb8;
	[tilespmem:$0xC200] =	vst v63  }
0x73: {  	s25 =	simm.s32 $0xA200  }
0x74: {  	[tilespmem:s25], [sflag:$0x4] =	stream.indirect_vreg.gather [hbm4b:s7+s3], $0x80, v4, vm0, $0xb8;
	[tilespmem:$0xC200] =	vst v63  }
0x75: {  	s25 =	simm.s32 $0xAA00  }
0x76: {  	[tilespmem:s25], [sflag:$0x4] =	stream.indirect_vreg.gather [hbm4b:s1+s3], $0x80, v3, vm0, $0xb8;
	[tilespmem:$0xC200] =	vst v63  }
0x77: {  	s25 =	simm.s32 $0xB200  }
0x78: {  	[tilespmem:s25], [sflag:$0x4] =	stream.indirect_vreg.gather [hbm4b:s5+s3], $0x80, v3, vm0, $0xb8;
	[tilespmem:$0xC200] =	vst v63  }
0x79: {  	s25 =	simm.s32 $0xBA00  }
0x7a: {  	[tilespmem:s25], [sflag:$0x4] =	stream.indirect_vreg.gather [hbm4b:s7+s3], $0x80, v3, vm0, $0xb8;
	[tilespmem:$0xC200] =	vst v63  }
0x7b: {  	_ =	swait.ge [sflag:s6], $0x3000  }
0x7c: {  	[sflag:s6] =	ssyncset.done $0x0  }
0x7d: {  	s25 =	rddreg [dreg:$0xa];
	[sflag:s6] =	ssyncadd.s32 $0xFFFFD000  }
0x7e: {  	[hbm4b:s25+s3] =	stream.linear.scatter [tilespmem:s24], [sflag:$0x6], $0x3000, $0x38;
	[tilespmem:$0xC200] =	vst v63  }
0x7f: {  	_ =	swait.ge [sflag:s18], $0x3000  }
0x80: {  	[sflag:s18] =	ssyncset.done $0x0  }
0x81: {  	[sflag:s18] =	ssyncadd.s32 $0xFFFFD000  }
0x82: {  	v3 =	vld [tilespmem:$0x40];
	_ =	sdelay $0x4  }
0x83: {  	v61 =	vshrl.u32 v3, $0x3  }
0x84: {  	v4 =	vmul.u32 $0x30, v61  }
0x85: {  	v3 =	vand.u32 $0x7, v3  }
0x86: {  	v3 =	vor.u32 v3, v4  }
0x87: {  	v4 =	vperm.xlane v3, v0;
	_ =	sdelay $0x1  }
0x88: {  	v4 =	vadd.s32 v1, v4;
	_ =	sdelay $0x3  }
0x89: {  	v3 =	vperm.xlane v3, v2  }
0x8a: {  	[tilespmem:s17], [sflag:$0x1] =	stream.indirect_vreg.gather [hbm4b:s1+s3], $0x80, v4, vm0, $0xb8;
	[tilespmem:$0xC200] =	vst v63  }
0x8b: {  	v3 =	vadd.s32 v1, v3  }
0x8c: {  	[tilespmem:s28], [sflag:$0x1] =	stream.indirect_vreg.gather [hbm4b:s5+s3], $0x80, v4, vm0, $0xb8;
	[tilespmem:$0xC200] =	vst v63  }
0x8d: {  	_ = 	snop  }
0x8e: {  	[tilespmem:s29], [sflag:$0x1] =	stream.indirect_vreg.gather [hbm4b:s7+s3], $0x80, v4, vm0, $0xb8;
	[tilespmem:$0xC200] =	vst v63  }
0x8f: {  	_ = 	snop  }
0x90: {  	[tilespmem:s30], [sflag:$0x1] =	stream.indirect_vreg.gather [hbm4b:s1+s3], $0x80, v3, vm0, $0xb8;
	[tilespmem:$0xC200] =	vst v63  }
0x91: {  	_ = 	snop  }
0x92: {  	[tilespmem:s0], [sflag:$0x1] =	stream.indirect_vreg.gather [hbm4b:s5+s3], $0x80, v3, vm0, $0xb8;
	[tilespmem:$0xC200] =	vst v63  }
0x93: {  	_ = 	snop  }
0x94: {  	[tilespmem:s2], [sflag:$0x1] =	stream.indirect_vreg.gather [hbm4b:s7+s3], $0x80, v3, vm0, $0xb8;
	[tilespmem:$0xC200] =	vst v63  }
0x95: {  	_ =	swait.ge [sflag:s19], $0x3000  }
0x96: {  	[sflag:s19] =	ssyncset.done $0x0  }
0x97: {  	s17 =	rddreg [dreg:$0xb];
	[sflag:s19] =	ssyncadd.s32 $0xFFFFD000  }
0x98: {  	[hbm4b:s17+s3] =	stream.linear.scatter [tilespmem:s10], [sflag:$0x7], $0x3000, $0x38;
	[tilespmem:$0xC200] =	vst v63  }
0x99: {  	_ =	swait.ge [sflag:s20], $0x3000  }
0x9a: {  	[sflag:s20] =	ssyncset.done $0x0  }
0x9b: {  	[sflag:s20] =	ssyncadd.s32 $0xFFFFD000  }
0x9c: {  	v3 =	vld [tilespmem:$0x50];
	_ =	sdelay $0x4  }
0x9d: {  	v62 =	vshrl.u32 v3, $0x3  }
0x9e: {  	v4 =	vmul.u32 $0x30, v62  }
0x9f: {  	v3 =	vand.u32 $0x7, v3  }
0xa0: {  	v3 =	vor.u32 v3, v4  }
0xa1: {  	v4 =	vperm.xlane v3, v0;
	_ =	sdelay $0x1  }
0xa2: {  	v4 =	vadd.s32 v1, v4;
	_ =	sdelay $0x3  }
0xa3: {  	v3 =	vperm.xlane v3, v2  }
0xa4: {  	[tilespmem:s24], [sflag:$0x2] =	stream.indirect_vreg.gather [hbm4b:s1+s3], $0x80, v4, vm0, $0xb8;
	[tilespmem:$0xC200] =	vst v63  }
0xa5: {  	v3 =	vadd.s32 v1, v3  }
0xa6: {  	[tilespmem:s16], [sflag:$0x2] =	stream.indirect_vreg.gather [hbm4b:s5+s3], $0x80, v4, vm0, $0xb8;
	[tilespmem:$0xC200] =	vst v63  }
0xa7: {  	_ = 	snop  }
0xa8: {  	[tilespmem:s4], [sflag:$0x2] =	stream.indirect_vreg.gather [hbm4b:s7+s3], $0x80, v4, vm0, $0xb8;
	[tilespmem:$0xC200] =	vst v63  }
0xa9: {  	_ = 	snop  }
0xaa: {  	[tilespmem:s8], [sflag:$0x2] =	stream.indirect_vreg.gather [hbm4b:s1+s3], $0x80, v3, vm0, $0xb8;
	[tilespmem:$0xC200] =	vst v63  }
0xab: {  	_ = 	snop  }
0xac: {  	[tilespmem:s11], [sflag:$0x2] =	stream.indirect_vreg.gather [hbm4b:s5+s3], $0x80, v3, vm0, $0xb8;
	[tilespmem:$0xC200] =	vst v63  }
0xad: {  	_ = 	snop  }
0xae: {  	[tilespmem:s12], [sflag:$0x2] =	stream.indirect_vreg.gather [hbm4b:s7+s3], $0x80, v3, vm0, $0xb8;
	[tilespmem:$0xC200] =	vst v63  }
0xaf: {  	_ =	swait.ge [sflag:s21], $0x3000  }
0xb0: {  	[sflag:s21] =	ssyncset.done $0x0  }
0xb1: {  	s28 =	rddreg [dreg:$0xc];
	[sflag:s21] =	ssyncadd.s32 $0xFFFFD000  }
0xb2: {  	[hbm4b:s28+s3] =	stream.linear.scatter [tilespmem:s26], [sflag:$0x8], $0x3000, $0x38;
	[tilespmem:$0xC200] =	vst v63  }
0xb3: {  	_ =	swait.ge [sflag:s22], $0x3000  }
0xb4: {  	[sflag:s22] =	ssyncset.done $0x0  }
0xb5: {  	[sflag:s22] =	ssyncadd.s32 $0xFFFFD000  }
0xb6: {  	v3 =	vld [tilespmem:$0x60];
	_ =	sdelay $0x4  }
0xb7: {  	v63 =	vshrl.u32 v3, $0x3  }
0xb8: {  	v4 =	vmul.u32 $0x30, v63  }
0xb9: {  	v3 =	vand.u32 $0x7, v3  }
0xba: {  	v3 =	vor.u32 v3, v4  }
0xbb: {  	v4 =	vperm.xlane v3, v0;
	_ =	sdelay $0x1  }
0xbc: {  	v4 =	vadd.s32 v1, v4;
	_ =	sdelay $0x3  }
0xbd: {  	v3 =	vperm.xlane v3, v2  }
0xbe: {  	[tilespmem:s10], [sflag:$0x3] =	stream.indirect_vreg.gather [hbm4b:s1+s3], $0x80, v4, vm0, $0xb8;
	[tilespmem:$0xC200] =	vst v63  }
0xbf: {  	s25 =	simm.s32 $0xA0;
	s29 =	simm.s32 $0xA00;
	v3 =	vadd.s32 v1, v3  }
0xc0: {  	[tilespmem:s13], [sflag:$0x3] =	stream.indirect_vreg.gather [hbm4b:s5+s3], $0x80, v4, vm0, $0xb8;
	[tilespmem:$0xC200] =	vst v63  }
0xc1: {  	s30 =	simm.s32 $0x1200;
	s0 =	simm.s32 $0x1A00;
	s17 =	simm.s32 $0x7A00  }
0xc2: {  	[tilespmem:s14], [sflag:$0x3] =	stream.indirect_vreg.gather [hbm4b:s7+s3], $0x80, v4, vm0, $0xb8;
	[tilespmem:$0xC200] =	vst v63  }
0xc3: {  	s16 =	simm.s32 $0x2A00;
	s4 =	simm.s32 $0x8200;
	s8 =	simm.s32 $0x4200  }
0xc4: {  	[tilespmem:s15], [sflag:$0x3] =	stream.indirect_vreg.gather [hbm4b:s1+s3], $0x80, v3, vm0, $0xb8;
	[tilespmem:$0xC200] =	vst v63  }
0xc5: {  	s12 =	simm.s32 $0x5200;
	s26 =	simm.s32 $0x0;
	s13 =	simm.s32 $0x5A00  }
0xc6: {  	[tilespmem:s31], [sflag:$0x3] =	stream.indirect_vreg.gather [hbm4b:s5+s3], $0x80, v3, vm0, $0xb8;
	[tilespmem:$0xC200] =	vst v63  }
0xc7: {  	s14 =	simm.s32 $0x6A00;
	s15 =	simm.s32 $0x7200;
	s31 =	simm.s32 $0x8A00  }
0xc8: {  	[tilespmem:s31], [sflag:$0x3] =	stream.indirect_vreg.gather [hbm4b:s7+s3], $0x80, v3, vm0, $0xb8;
	[tilespmem:$0xC200] =	vst v63  }
.LBB2_2:
0xc9: {  	_ =	swait.ge [sflag:s9], $0x3000  }
0xca: {  	s28 =	rddreg [dreg:$0x4];
	[sflag:s9] =	ssyncset.done $0x0  }
0xcb: {  	s31 =	simm.s32 $0x200;
	[sflag:s9] =	ssyncadd.s32 $0xFFFFD000;
	s28 =	sadd.s32 s26, s28  }
0xcc: {  	[hbm4b:s28+s3] =	stream.linear.scatter [tilespmem:s31], [sflag:$0x5], $0x3000, $0x38;
	[tilespmem:$0xC200] =	vst v63  }
0xcd: {  	_ =	swait.ge [sflag:s23], $0x3000  }
0xce: {  	[sflag:s23] =	ssyncset.done $0x0  }
0xcf: {  	[sflag:s23] =	ssyncadd.s32 $0xFFFFD000  }
0xd0: {  	v3 =	vld [tilespmem:s25+$0xFFFFFFD0];
	_ =	sdelay $0x4  }
0xd1: {  	v4 =	vshrl.u32 v3, $0x3  }
0xd2: {  	v4 =	vmul.u32 $0x30, v4  }
0xd3: {  	v3 =	vand.u32 $0x7, v3  }
0xd4: {  	v3 =	vor.u32 v3, v4  }
0xd5: {  	v4 =	vperm.xlane v3, v0;
	_ =	sdelay $0x1  }
0xd6: {  	v4 =	vadd.s32 v1, v4;
	_ =	sdelay $0x3  }
0xd7: {  	s11 =	simm.s32 $0x9200;
	v3 =	vperm.xlane v3, v2  }
0xd8: {  	[tilespmem:s11], [sflag:$0x4] =	stream.indirect_vreg.gather [hbm4b:s1+s3], $0x80, v4, vm0, $0xb8;
	[tilespmem:$0xC200] =	vst v63  }
0xd9: {  	s2 =	simm.s32 $0x9A00;
	v3 =	vadd.s32 v1, v3  }
0xda: {  	[tilespmem:s2], [sflag:$0x4] =	stream.indirect_vreg.gather [hbm4b:s5+s3], $0x80, v4, vm0, $0xb8;
	[tilespmem:$0xC200] =	vst v63  }
0xdb: {  	s10 =	simm.s32 $0xA200  }
0xdc: {  	[tilespmem:s10], [sflag:$0x4] =	stream.indirect_vreg.gather [hbm4b:s7+s3], $0x80, v4, vm0, $0xb8;
	[tilespmem:$0xC200] =	vst v63  }
0xdd: {  	s24 =	simm.s32 $0xAA00  }
0xde: {  	[tilespmem:s24], [sflag:$0x4] =	stream.indirect_vreg.gather [hbm4b:s1+s3], $0x80, v3, vm0, $0xb8;
	[tilespmem:$0xC200] =	vst v63  }
0xdf: {  	s28 =	simm.s32 $0xB200  }
0xe0: {  	[tilespmem:s28], [sflag:$0x4] =	stream.indirect_vreg.gather [hbm4b:s5+s3], $0x80, v3, vm0, $0xb8;
	[tilespmem:$0xC200] =	vst v63  }
0xe1: {  	s10 =	simm.s32 $0xBA00  }
0xe2: {  	[tilespmem:s10], [sflag:$0x4] =	stream.indirect_vreg.gather [hbm4b:s7+s3], $0x80, v3, vm0, $0xb8;
	[tilespmem:$0xC200] =	vst v63  }
0xe3: {  	_ =	swait.ge [sflag:s6], $0x3000  }
0xe4: {  	s24 =	rddreg [dreg:$0x7];
	[sflag:s6] =	ssyncset.done $0x0  }
0xe5: {  	s10 =	simm.s32 $0x3200;
	[sflag:s6] =	ssyncadd.s32 $0xFFFFD000;
	s28 =	sadd.s32 s26, s24  }
0xe6: {  	[hbm4b:s28+s3] =	stream.linear.scatter [tilespmem:s10], [sflag:$0x6], $0x3000, $0x38;
	[tilespmem:$0xC200] =	vst v63  }
0xe7: {  	_ =	swait.ge [sflag:s18], $0x3000  }
0xe8: {  	[sflag:s18] =	ssyncset.done $0x0  }
0xe9: {  	[sflag:s18] =	ssyncadd.s32 $0xFFFFD000  }
0xea: {  	v3 =	vld [tilespmem:s25+$0xFFFFFFE0];
	_ =	sdelay $0x4  }
0xeb: {  	v61 =	vshrl.u32 v3, $0x3  }
0xec: {  	v4 =	vmul.u32 $0x30, v61  }
0xed: {  	v3 =	vand.u32 $0x7, v3  }
0xee: {  	v3 =	vor.u32 v3, v4  }
0xef: {  	v4 =	vperm.xlane v3, v0;
	_ =	sdelay $0x1  }
0xf0: {  	v4 =	vadd.s32 v1, v4;
	_ =	sdelay $0x3  }
0xf1: {  	v3 =	vperm.xlane v3, v2  }
0xf2: {  	[tilespmem:s31], [sflag:$0x1] =	stream.indirect_vreg.gather [hbm4b:s1+s3], $0x80, v4, vm0, $0xb8;
	[tilespmem:$0xC200] =	vst v63  }
0xf3: {  	v3 =	vadd.s32 v1, v3  }
0xf4: {  	[tilespmem:s29], [sflag:$0x1] =	stream.indirect_vreg.gather [hbm4b:s5+s3], $0x80, v4, vm0, $0xb8;
	[tilespmem:$0xC200] =	vst v63  }
0xf5: {  	_ = 	snop  }
0xf6: {  	[tilespmem:s30], [sflag:$0x1] =	stream.indirect_vreg.gather [hbm4b:s7+s3], $0x80, v4, vm0, $0xb8;
	[tilespmem:$0xC200] =	vst v63  }
0xf7: {  	_ = 	snop  }
0xf8: {  	[tilespmem:s0], [sflag:$0x1] =	stream.indirect_vreg.gather [hbm4b:s1+s3], $0x80, v3, vm0, $0xb8;
	[tilespmem:$0xC200] =	vst v63  }
0xf9: {  	s28 =	simm.s32 $0x2200  }
0xfa: {  	[tilespmem:s28], [sflag:$0x1] =	stream.indirect_vreg.gather [hbm4b:s5+s3], $0x80, v3, vm0, $0xb8;
	[tilespmem:$0xC200] =	vst v63  }
0xfb: {  	_ = 	snop  }
0xfc: {  	[tilespmem:s16], [sflag:$0x1] =	stream.indirect_vreg.gather [hbm4b:s7+s3], $0x80, v3, vm0, $0xb8;
	[tilespmem:$0xC200] =	vst v63  }
0xfd: {  	_ =	swait.ge [sflag:s19], $0x3000  }
0xfe: {  	s2 =	rddreg [dreg:$0x6];
	[sflag:s19] =	ssyncset.done $0x0  }
0xff: {  	[sflag:s19] =	ssyncadd.s32 $0xFFFFD000;
	s28 =	sadd.s32 s26, s2;
	s2 =	simm.s32 $0x6200  }
0x100: {  	[hbm4b:s28+s3] =	stream.linear.scatter [tilespmem:s2], [sflag:$0x7], $0x3000, $0x38;
	[tilespmem:$0xC200] =	vst v63  }
0x101: {  	_ =	swait.ge [sflag:s20], $0x3000  }
0x102: {  	[sflag:s20] =	ssyncset.done $0x0  }
0x103: {  	[sflag:s20] =	ssyncadd.s32 $0xFFFFD000  }
0x104: {  	v3 =	vld [tilespmem:s25+$0xFFFFFFF0];
	_ =	sdelay $0x4  }
0x105: {  	v62 =	vshrl.u32 v3, $0x3  }
0x106: {  	v4 =	vmul.u32 $0x30, v62  }
0x107: {  	v3 =	vand.u32 $0x7, v3  }
0x108: {  	v3 =	vor.u32 v3, v4  }
0x109: {  	v4 =	vperm.xlane v3, v0;
	_ =	sdelay $0x1  }
0x10a: {  	v4 =	vadd.s32 v1, v4;
	_ =	sdelay $0x3  }
0x10b: {  	v3 =	vperm.xlane v3, v2  }
0x10c: {  	[tilespmem:s10], [sflag:$0x2] =	stream.indirect_vreg.gather [hbm4b:s1+s3], $0x80, v4, vm0, $0xb8;
	[tilespmem:$0xC200] =	vst v63  }
0x10d: {  	s28 =	simm.s32 $0x3A00;
	v3 =	vadd.s32 v1, v3  }
0x10e: {  	[tilespmem:s28], [sflag:$0x2] =	stream.indirect_vreg.gather [hbm4b:s5+s3], $0x80, v4, vm0, $0xb8;
	[tilespmem:$0xC200] =	vst v63  }
0x10f: {  	_ = 	snop  }
0x110: {  	[tilespmem:s8], [sflag:$0x2] =	stream.indirect_vreg.gather [hbm4b:s7+s3], $0x80, v4, vm0, $0xb8;
	[tilespmem:$0xC200] =	vst v63  }
0x111: {  	s28 =	simm.s32 $0x4A00  }
0x112: {  	[tilespmem:s28], [sflag:$0x2] =	stream.indirect_vreg.gather [hbm4b:s1+s3], $0x80, v3, vm0, $0xb8;
	[tilespmem:$0xC200] =	vst v63  }
0x113: {  	_ = 	snop  }
0x114: {  	[tilespmem:s12], [sflag:$0x2] =	stream.indirect_vreg.gather [hbm4b:s5+s3], $0x80, v3, vm0, $0xb8;
	[tilespmem:$0xC200] =	vst v63  }
0x115: {  	_ = 	snop  }
0x116: {  	[tilespmem:s13], [sflag:$0x2] =	stream.indirect_vreg.gather [hbm4b:s7+s3], $0x80, v3, vm0, $0xb8;
	[tilespmem:$0xC200] =	vst v63  }
0x117: {  	_ =	swait.ge [sflag:s21], $0x3000  }
0x118: {  	s10 =	rddreg [dreg:$0x5];
	[sflag:s21] =	ssyncset.done $0x0  }
0x119: {  	[sflag:s21] =	ssyncadd.s32 $0xFFFFD000;
	s28 =	sadd.s32 s26, s10  }
0x11a: {  	[hbm4b:s28+s3] =	stream.linear.scatter [tilespmem:s11], [sflag:$0x8], $0x3000, $0x38;
	[tilespmem:$0xC200] =	vst v63  }
0x11b: {  	_ =	swait.ge [sflag:s22], $0x3000  }
0x11c: {  	[sflag:s22] =	ssyncset.done $0x0  }
0x11d: {  	[sflag:s22] =	ssyncadd.s32 $0xFFFFD000  }
0x11e: {  	v3 =	vld [tilespmem:s25+$0x0];
	_ =	sdelay $0x4  }
0x11f: {  	v63 =	vshrl.u32 v3, $0x3  }
0x120: {  	v4 =	vmul.u32 $0x30, v63  }
0x121: {  	v3 =	vand.u32 $0x7, v3  }
0x122: {  	v3 =	vor.u32 v3, v4  }
0x123: {  	v4 =	vperm.xlane v3, v0;
	_ =	sdelay $0x1  }
0x124: {  	v4 =	vadd.s32 v1, v4;
	_ =	sdelay $0x3  }
0x125: {  	v3 =	vperm.xlane v3, v2  }
0x126: {  	[tilespmem:s2], [sflag:$0x3] =	stream.indirect_vreg.gather [hbm4b:s1+s3], $0x80, v4, vm0, $0xb8;
	[tilespmem:$0xC200] =	vst v63  }
0x127: {  	v3 =	vadd.s32 v1, v3  }
0x128: {  	[tilespmem:s14], [sflag:$0x3] =	stream.indirect_vreg.gather [hbm4b:s5+s3], $0x80, v4, vm0, $0xb8;
	[tilespmem:$0xC200] =	vst v63  }
0x129: {  	_ = 	snop  }
0x12a: {  	[tilespmem:s15], [sflag:$0x3] =	stream.indirect_vreg.gather [hbm4b:s7+s3], $0x80, v4, vm0, $0xb8;
	[tilespmem:$0xC200] =	vst v63  }
0x12b: {  	p0 =	sne.s32 s26, $0x7800  }
0x12c: {  	[tilespmem:s17], [sflag:$0x3] =	stream.indirect_vreg.gather [hbm4b:s1+s3], $0x80, v3, vm0, $0xb8;
	[tilespmem:$0xC200] =	vst v63  }
.Ltmp0:
0x12d: {  	_ = 	snop;
	(pc) =	sbr.rel @p0 .LBB2_2-.Ltmp0, $4  }
0x12e: {  	s24 =	simm.s32 $0x200;
	s31 =	simm.s32 $0x3200;
	s10 =	simm.s32 $0x6200  }
0x12f: {  	[tilespmem:s4], [sflag:$0x3] =	stream.indirect_vreg.gather [hbm4b:s5+s3], $0x80, v3, vm0, $0xb8;
	[tilespmem:$0xC200] =	vst v63  }
0x130: {  	s26 =	sadd.s32 $0x1800, s26;
	s28 =	simm.s32 $0x8A00;
	s25 =	sadd.s32 $0x40, s25  }
0x131: {  	[tilespmem:s28], [sflag:$0x3] =	stream.indirect_vreg.gather [hbm4b:s7+s3], $0x80, v3, vm0, $0xb8;
	[tilespmem:$0xC200] =	vst v63  }
0x132: {  	_ =	swait.ge [sflag:s9], $0x3000  }
0x133: {  	[sflag:s9] =	ssyncset.done $0x0  }
0x134: {  	s25 =	rddreg [dreg:$0xd];
	[sflag:s9] =	ssyncadd.s32 $0xFFFFD000  }
0x135: {  	[hbm4b:s25+s3] =	stream.linear.scatter [tilespmem:s24], [sflag:$0x5], $0x3000, $0x38;
	[tilespmem:$0xC200] =	vst v63  }
0x136: {  	_ =	swait.ge [sflag:s23], $0x3000  }
0x137: {  	[sflag:s23] =	ssyncset.done $0x0  }
0x138: {  	[sflag:s23] =	ssyncadd.s32 $0xFFFFD000  }
0x139: {  	v3 =	vld [tilespmem:$0x1F0];
	_ =	sdelay $0x4  }
0x13a: {  	v4 =	vshrl.u32 v3, $0x3  }
0x13b: {  	v4 =	vmul.u32 $0x30, v4  }
0x13c: {  	v3 =	vand.u32 $0x7, v3  }
0x13d: {  	v3 =	vor.u32 v3, v4  }
0x13e: {  	v4 =	vperm.xlane v3, v0;
	_ =	sdelay $0x1  }
0x13f: {  	v4 =	vadd.s32 v1, v4;
	_ =	sdelay $0x3  }
0x140: {  	s0 =	simm.s32 $0x9200;
	v3 =	vperm.xlane v3, v2  }
0x141: {  	[tilespmem:s0], [sflag:$0x4] =	stream.indirect_vreg.gather [hbm4b:s1+s3], $0x80, v4, vm0, $0xb8;
	[tilespmem:$0xC200] =	vst v63  }
0x142: {  	s2 =	simm.s32 $0x9A00;
	v3 =	vadd.s32 v1, v3  }
0x143: {  	[tilespmem:s2], [sflag:$0x4] =	stream.indirect_vreg.gather [hbm4b:s5+s3], $0x80, v4, vm0, $0xb8;
	[tilespmem:$0xC200] =	vst v63  }
0x144: {  	s12 =	simm.s32 $0xA200  }
0x145: {  	[tilespmem:s12], [sflag:$0x4] =	stream.indirect_vreg.gather [hbm4b:s7+s3], $0x80, v4, vm0, $0xb8;
	[tilespmem:$0xC200] =	vst v63  }
0x146: {  	s13 =	simm.s32 $0xAA00  }
0x147: {  	[tilespmem:s13], [sflag:$0x4] =	stream.indirect_vreg.gather [hbm4b:s1+s3], $0x80, v3, vm0, $0xb8;
	[tilespmem:$0xC200] =	vst v63  }
0x148: {  	s14 =	simm.s32 $0xB200  }
0x149: {  	[tilespmem:s14], [sflag:$0x4] =	stream.indirect_vreg.gather [hbm4b:s5+s3], $0x80, v3, vm0, $0xb8;
	[tilespmem:$0xC200] =	vst v63  }
0x14a: {  	s15 =	simm.s32 $0xBA00  }
0x14b: {  	[tilespmem:s15], [sflag:$0x4] =	stream.indirect_vreg.gather [hbm4b:s7+s3], $0x80, v3, vm0, $0xb8;
	[tilespmem:$0xC200] =	vst v63  }
0x14c: {  	_ =	swait.ge [sflag:s6], $0x3000  }
0x14d: {  	[sflag:s6] =	ssyncset.done $0x0  }
0x14e: {  	s16 =	rddreg [dreg:$0xe];
	[sflag:s6] =	ssyncadd.s32 $0xFFFFD000  }
0x14f: {  	[hbm4b:s16+s3] =	stream.linear.scatter [tilespmem:s31], [sflag:$0x6], $0x3000, $0x38;
	[tilespmem:$0xC200] =	vst v63  }
0x150: {  	_ =	swait.ge [sflag:s19], $0x3000  }
0x151: {  	[sflag:s19] =	ssyncset.done $0x0  }
0x152: {  	s17 =	rddreg [dreg:$0xf];
	[sflag:s19] =	ssyncadd.s32 $0xFFFFD000  }
0x153: {  	[hbm4b:s17+s3] =	stream.linear.scatter [tilespmem:s10], [sflag:$0x7], $0x3000, $0x38;
	[tilespmem:$0xC200] =	vst v63  }
0x154: {  	_ =	swait.ge [sflag:s21], $0x3000  }
0x155: {  	[sflag:s21] =	ssyncset.done $0x0  }
0x156: {  	s24 =	rddreg [dreg:$0x10];
	[sflag:s21] =	ssyncadd.s32 $0xFFFFD000  }
0x157: {  	[hbm4b:s24+s3] =	stream.linear.scatter [tilespmem:s0], [sflag:$0x8], $0x3000, $0x38;
	[tilespmem:$0xC200] =	vst v63  }
0x158: {  	_ =	swait.ge [sflag:s18], $0x3000  }
0x159: {  	[sflag:s18] =	ssyncset.done $0x0  }
0x15a: {  	[sflag:s18] =	ssyncadd.s32 $0xFFFFD000  }
0x15b: {  	_ =	swait.ge [sflag:s20], $0x3000  }
0x15c: {  	[sflag:s20] =	ssyncset.done $0x0  }
0x15d: {  	[sflag:s20] =	ssyncadd.s32 $0xFFFFD000  }
0x15e: {  	_ =	swait.ge [sflag:s22], $0x3000  }
0x15f: {  	[sflag:s22] =	ssyncset.done $0x0  }
0x160: {  	[sflag:s22] =	ssyncadd.s32 $0xFFFFD000  }
0x161: {  	_ =	swait.ge [sflag:s23], $0x3000  }
0x162: {  	s25 =	rddreg [dreg:$0x12]  }
0x163: {  	s26 =	rddreg [dreg:$0x11];
	s10 =	sadd.s32 $0x1, s25  }
0x164: {  	s28 =	simm.s32 $0xA00;
	s29 =	simm.s32 $0x1200;
	p0 =	sne.s32 s10, s26  }
.Ltmp1:
0x165: {  	s30 =	simm.s32 $0x1A00;
	s4 =	simm.s32 $0x4200;
	(pc) =	sbr.rel @p0 .LBB2_1-.Ltmp1, $4  }
0x166: {  	s8 =	simm.s32 $0x4A00;
	s11 =	simm.s32 $0x5200;
	s2 =	simm.s32 $0x2A00  }
0x167: {  	s12 =	simm.s32 $0x5A00;
	s13 =	simm.s32 $0x6A00;
	s14 =	simm.s32 $0x7200  }
0x168: {  	s15 =	simm.s32 $0x7A00;
	s16 =	simm.s32 $0x3A00;
	[sflag:s23] =	ssyncset.done $0x0  }
0x169: {  	s31 =	simm.s32 $0x8200;
	s0 =	simm.s32 $0x2200;
	[sflag:s23] =	ssyncadd.s32 $0xFFFFD000  }
0x16a: {  	_ =	sfence.sel $0x180000  }
0x16b: {  	[bflag:$0x0] =	sbarrier.arrive $0xFFFF  }
0x16c: {  	_ =	strace $0x90000047  }
0x16d: {  	s0 =	stileid.u32;
	[bflag:$0x2] =	sbarrier.arrive $0xFFFF  }
0x16e: {  	p0 =	sne.s32 s0, $0x0;
	s0 =	rddreg [dreg:$0x3]  }
0x16f: {  	s0 =	sadd.s32 @!p0 $0x100000, s0  }
0x170: {  	[sflag:s0] =	ssyncadd.tile.s32 @!p0 $0x1;
	_ =	shalt  }
.Lfunc_end2:
_tile_overlayer_lowered:
.L_overlay_start_2:
0x171: {  	(tag) =	ssettag $0x2  }
0x172: {  	s0 =	rddreg [dreg:$0x0];
	s2 =	stileid.u32  }
0x173: {  	s1 =	rddreg [dreg:$0x1];
	p0 =	sne.s32 s2, $0x0  }
0x174: {  	s3 =	rddreg [dreg:$0x2];
	[bflag:$0x3] =	sbarrier.arrive $0xFFFF;
	s2 =	simm.s32 @!p0 $0x1C09  }
0x175: {  	[timem:s3], [sflag:s2] =	dma.local @!p0 [hbm:s0], s1  }
0x176: {  	s0 =	simm.s32 @!p0 $0x9  }
0x177: {  	_ =	swait.ge @!p0 [sflag:s0], s1  }
0x178: {  	s1 =	ssub.s32 @!p0 $0x0, s1;
	[sflag:s0] =	ssyncset.done @!p0 $0x0  }
0x179: {  	[sflag:s0] =	ssyncadd.s32 @!p0 s1  }
0x17a: {  	[bflag:$0x3] =	sbarrier.arrive $0xFFFF  }
0x17b: {  	_ =	shalt  }

</sc_bundles>
